<compile_context>
chip_gen: v7x
topology: tpu7x:2x2x1
jax: 0.10.2.dev20260603
libtpu: 0.0.44.dev20260713+nightly
codegen_flags: <defaults>
</compile_context>

<pallas_src>
import functools

import jax
import jax.numpy as jnp
from jax import lax
from jax.experimental import pallas as pl
from jax.experimental.pallas import tpu as pltpu
from jax.experimental.pallas import tpu_sc as plsc

N = 2048
D = 768
H = 768
E = 8
C = 512
SENT = E * C
ROWS = 9 * C

BLK = 256
NB = N // BLK

NC, NS = 2, 16
NW = NC * NS
TPW = N // NW
NSC = 1024
TPW4 = NSC // NW
BLK4 = 512


def _k1_body(x0_ref, s_ref, b_ref, wr_ref, br_ref,
             xlo_ref, xup_ref, d0_ref, d1_ref, g0_ref, g1_ref, carry_ref):
    blk = pl.program_id(0)
    x = x0_ref[...]
    mean = jnp.mean(x, axis=-1, keepdims=True)
    var = jnp.mean((x - mean) ** 2, axis=-1, keepdims=True)
    xn = (x - mean) * lax.rsqrt(var + 1e-6) * s_ref[...] + b_ref[...]
    xa = jnp.maximum(xn, 0.0)

    @pl.when(blk < NSC // BLK)
    def _():
        xlo_ref[...] = xa

    @pl.when(blk >= NSC // BLK)
    def _():
        xup_ref[...] = xa.astype(jnp.bfloat16)

    logits = jnp.dot(xa, wr_ref[...], preferred_element_type=jnp.float32)
    logits = logits + br_ref[...]

    eidx = lax.broadcasted_iota(jnp.int32, (BLK, E), 1)
    m0 = jnp.max(logits, axis=-1, keepdims=True)
    i0 = jnp.min(jnp.where(logits == m0, eidx, E), axis=-1, keepdims=True)
    neg = jnp.where(eidx == i0, -jnp.inf, logits)
    m1 = jnp.max(neg, axis=-1, keepdims=True)
    i1 = jnp.min(jnp.where(neg == m1, eidx, E), axis=-1, keepdims=True)

    e1 = jnp.exp(m1 - m0)
    g0_ref[...] = 1.0 / (1.0 + e1)
    g1_ref[...] = e1 / (1.0 + e1)

    oh0 = (eidx == i0).astype(jnp.float32)
    oh1 = (eidx == i1).astype(jnp.float32)
    ohs = oh0 + oh1

    r = lax.broadcasted_iota(jnp.int32, (BLK, BLK), 0)
    c = lax.broadcasted_iota(jnp.int32, (BLK, BLK), 1)
    tri = (c < r).astype(jnp.float32)
    cumb = jnp.dot(tri, ohs, preferred_element_type=jnp.float32)

    @pl.when(blk == 0)
    def _():
        carry_ref[...] = jnp.zeros((1, E), jnp.float32)

    base = cumb + carry_ref[...]
    carry_ref[...] = carry_ref[...] + jnp.sum(ohs, axis=0, keepdims=True)

    p0 = jnp.sum(base * oh0, axis=-1, keepdims=True).astype(jnp.int32)
    p1 = jnp.sum(base * oh1, axis=-1, keepdims=True).astype(jnp.int32)
    d0_ref[...] = jnp.where(p0 < C, i0 * C + p0, SENT)
    d1_ref[...] = jnp.where(p1 < C, i1 * C + p1, SENT)


def _k1_call(x0f, ln0_scale, ln0_bias, Wr, br):
    f32 = jnp.float32
    return pl.pallas_call(
        _k1_body,
        grid=(NB,),
        in_specs=[
            pl.BlockSpec((BLK, D), lambda b: (b, 0)),
            pl.BlockSpec((1, D), lambda b: (0, 0)),
            pl.BlockSpec((1, D), lambda b: (0, 0)),
            pl.BlockSpec((D, E), lambda b: (0, 0)),
            pl.BlockSpec((1, E), lambda b: (0, 0)),
        ],
        out_specs=[
            pl.BlockSpec((BLK, D),
                         lambda b: (jnp.minimum(b, NSC // BLK - 1), 0)),
            pl.BlockSpec((BLK, D),
                         lambda b: (jnp.maximum(b - NSC // BLK, 0), 0)),
            pl.BlockSpec((BLK, 1), lambda b: (b, 0)),
            pl.BlockSpec((BLK, 1), lambda b: (b, 0)),
            pl.BlockSpec((BLK, 1), lambda b: (b, 0)),
            pl.BlockSpec((BLK, 1), lambda b: (b, 0)),
        ],
        out_shape=[
            jax.ShapeDtypeStruct((NSC, D), f32),
            jax.ShapeDtypeStruct((N - NSC, D), jnp.bfloat16),
            jax.ShapeDtypeStruct((N, 1), jnp.int32),
            jax.ShapeDtypeStruct((N, 1), jnp.int32),
            jax.ShapeDtypeStruct((N, 1), f32),
            jax.ShapeDtypeStruct((N, 1), f32),
        ],
        scratch_shapes=[pltpu.VMEM((1, E), f32)],
    )(x0f, ln0_scale.reshape(1, D), ln0_bias.reshape(1, D),
      Wr, br.reshape(1, E))


def _k1g_body(d0_ref, d1_ref, g0_ref, g1_ref, gsl_ref, osl_ref):
    e = pl.program_id(0)
    slot = e * C + lax.broadcasted_iota(jnp.int32, (C, 1), 0)
    eq0 = slot == d0_ref[...]
    eq1 = slot == d1_ref[...]
    s0 = jnp.sum(jnp.where(eq0, g0_ref[...], 0.0), axis=1, keepdims=True)
    s1 = jnp.sum(jnp.where(eq1, g1_ref[...], 0.0), axis=1, keepdims=True)
    gsl_ref[...] = s0 + s1
    low = lax.broadcasted_iota(jnp.int32, (1, N), 1) < NSC
    own = (eq0 | eq1) & low
    osl_ref[...] = jnp.sum(own.astype(jnp.float32), axis=1, keepdims=True)


def _k1g_call(d0r, d1r, g0r, g1r):
    row = pl.BlockSpec((1, N), lambda e: (0, 0))
    return pl.pallas_call(
        _k1g_body,
        grid=(E,),
        in_specs=[row, row, row, row],
        out_specs=[pl.BlockSpec((C, 1), lambda e: (e, 0)),
                   pl.BlockSpec((C, 1), lambda e: (e, 0))],
        out_shape=[jax.ShapeDtypeStruct((ROWS, 1), jnp.float32),
                   jax.ShapeDtypeStruct((ROWS, 1), jnp.float32)],
    )(d0r, d1r, g0r, g1r)


def _k2_body(x_hbm, d0_hbm, d1_hbm, xe_hbm, idx0_v, idx1_v, rows_v, sem):
    wid = lax.axis_index("s") * NC + lax.axis_index("c")
    base = wid * TPW4
    pltpu.sync_copy(d0_hbm.at[pl.ds(base, TPW4)], idx0_v)
    pltpu.sync_copy(d1_hbm.at[pl.ds(base, TPW4)], idx1_v)
    pltpu.sync_copy(x_hbm.at[pl.ds(base, TPW4)], rows_v)
    pltpu.async_copy(rows_v, xe_hbm.at[idx0_v], sem).wait()
    pltpu.async_copy(rows_v, xe_hbm.at[idx1_v], sem).wait()


@functools.cache
def _k2_kernel():
    return pl.kernel(
        _k2_body,
        mesh=plsc.VectorSubcoreMesh(core_axis_name="c", subcore_axis_name="s"),
        out_type=jax.ShapeDtypeStruct((ROWS, D), jnp.float32),
        scratch_types=[
            pltpu.VMEM((TPW4,), jnp.int32),
            pltpu.VMEM((TPW4,), jnp.int32),
            pltpu.VMEM((TPW4, D), jnp.float32),
            pltpu.SemaphoreType.DMA,
        ],
    )


def _k2_call(xact, d0f, d1f):
    return _k2_kernel()(xact, d0f, d1f)


def _k3_body(xe_ref, gsl_ref, osl_ref, d0_ref, d1_ref, xup_ref,
             w1_ref, b1_ref, s1_ref, bb1_ref, w2_ref, b2_ref,
             y_ref, yb_ref):
    e = pl.program_id(0)

    @pl.when(e < E)
    def _():
        slot = e * C + lax.broadcasted_iota(jnp.int32, (C, 1), 0)
        d0u = d0_ref[...][:, NSC:]
        d1u = d1_ref[...][:, NSC:]
        comb = ((slot == d0u) | (slot == d1u)).astype(jnp.bfloat16)
        mix = jnp.dot(comb, xup_ref[...], preferred_element_type=jnp.float32)
        x = jnp.where(osl_ref[...] > 0, xe_ref[...], mix)
        x = x.astype(jnp.bfloat16)
        h = jnp.dot(x, w1_ref[0], preferred_element_type=jnp.float32)
        h = h + b1_ref[0]
        mean = jnp.mean(h, axis=-1, keepdims=True)
        var = jnp.mean((h - mean) ** 2, axis=-1, keepdims=True)
        h = (h - mean) * lax.rsqrt(var + 1e-6) * s1_ref[0] + bb1_ref[0]
        h = jnp.maximum(h, 0.0).astype(jnp.bfloat16)
        y = jnp.dot(h, w2_ref[0], preferred_element_type=jnp.float32)
        g = gsl_ref[...]
        y = (y + b2_ref[0]) * g
        y_ref[...] = y
        yb_ref[...] = jnp.where(g > 0, y, 0.0).astype(jnp.bfloat16)

    @pl.when(e == E)
    def _():
        y_ref[...] = jnp.zeros((C, D), jnp.float32)
        yb_ref[...] = jnp.zeros((C, D), jnp.bfloat16)


def _k3_call(xe, gsl, osl, d0r, d1r, xup, W1b, b1, ln1_scale, ln1_bias,
             W2b, b2):
    vec = pl.BlockSpec((1, 1, H), lambda e: (jnp.minimum(e, E - 1), 0, 0))
    return pl.pallas_call(
        _k3_body,
        grid=(E + 1,),
        in_specs=[
            pl.BlockSpec((C, D), lambda e: (e, 0)),
            pl.BlockSpec((C, 1), lambda e: (e, 0)),
            pl.BlockSpec((C, 1), lambda e: (e, 0)),
            pl.BlockSpec((1, N), lambda e: (0, 0)),
            pl.BlockSpec((1, N), lambda e: (0, 0)),
            pl.BlockSpec((N - NSC, D), lambda e: (0, 0)),
            pl.BlockSpec((1, D, H), lambda e: (jnp.minimum(e, E - 1), 0, 0)),
            vec, vec, vec,
            pl.BlockSpec((1, H, D), lambda e: (jnp.minimum(e, E - 1), 0, 0)),
            pl.BlockSpec((1, 1, D), lambda e: (jnp.minimum(e, E - 1), 0, 0)),
        ],
        out_specs=[pl.BlockSpec((C, D), lambda e: (e, 0)),
                   pl.BlockSpec((C, D), lambda e: (e, 0))],
        out_shape=[jax.ShapeDtypeStruct((ROWS, D), jnp.float32),
                   jax.ShapeDtypeStruct((ROWS, D), jnp.bfloat16)],
    )(xe, gsl, osl, d0r, d1r, xup, W1b, b1.reshape(E, 1, H),
      ln1_scale.reshape(E, 1, H), ln1_bias.reshape(E, 1, H), W2b,
      b2.reshape(E, 1, D))


def _k4_body(y_hbm, d0_hbm, d1_hbm, ys_hbm, i0_v, i1_v, r0_v, r1_v, sem):
    wid = lax.axis_index("s") * NC + lax.axis_index("c")
    base = wid * TPW4
    pltpu.sync_copy(d0_hbm.at[pl.ds(base, TPW4)], i0_v)
    pltpu.sync_copy(d1_hbm.at[pl.ds(base, TPW4)], i1_v)
    pltpu.async_copy(y_hbm.at[i0_v], r0_v, sem).wait()
    pltpu.async_copy(y_hbm.at[i1_v], r1_v, sem).wait()

    def tok(i, _):
        for j in range(D // 16):
            sl = pl.ds(j * 16, 16)
            r0_v[i, sl] = r0_v[i, sl] + r1_v[i, sl]
        return 0

    lax.fori_loop(0, TPW4, tok, 0)
    pltpu.sync_copy(r0_v, ys_hbm.at[pl.ds(base, TPW4)])


@functools.cache
def _k4_kernel():
    return pl.kernel(
        _k4_body,
        mesh=plsc.VectorSubcoreMesh(core_axis_name="c", subcore_axis_name="s"),
        out_type=jax.ShapeDtypeStruct((NSC, D), jnp.float32),
        scratch_types=[
            pltpu.VMEM((TPW4,), jnp.int32),
            pltpu.VMEM((TPW4,), jnp.int32),
            pltpu.VMEM((TPW4, D), jnp.float32),
            pltpu.VMEM((TPW4, D), jnp.float32),
            pltpu.SemaphoreType.DMA,
        ],
    )


def _k4_call(ybuf, d0f, d1f):
    return _k4_kernel()(ybuf, d0f, d1f)


def _k4t_body(d0_ref, d1_ref, x0_ref, yb_ref, o_ref):
    slot = lax.broadcasted_iota(jnp.int32, (BLK4, ROWS), 1)
    comb = ((slot == d0_ref[...]) | (slot == d1_ref[...])).astype(jnp.bfloat16)
    mix = jnp.dot(comb, yb_ref[...], preferred_element_type=jnp.float32)
    o_ref[...] = x0_ref[...] + mix


def _k4t_call(d0, d1, x0f, ybf):
    off = NSC // BLK4
    col = pl.BlockSpec((BLK4, 1), lambda b: (off + b, 0))
    return pl.pallas_call(
        _k4t_body,
        grid=((N - NSC) // BLK4,),
        in_specs=[
            col, col,
            pl.BlockSpec((BLK4, D), lambda b: (off + b, 0)),
            pl.BlockSpec((ROWS, D), lambda b: (0, 0)),
        ],
        out_specs=pl.BlockSpec((BLK4, D), lambda b: (b, 0)),
        out_shape=jax.ShapeDtypeStruct((N - NSC, D), jnp.float32),
    )(d0, d1, x0f, ybf)


def _k5_body(x0_ref, ys_ref, yt_ref, o_ref):
    b = pl.program_id(0)

    @pl.when(b < NSC // BLK)
    def _():
        o_ref[...] = x0_ref[...] + ys_ref[...]

    @pl.when(b >= NSC // BLK)
    def _():
        o_ref[...] = yt_ref[...]


def _k5_call(x0f, ysum, ytc):
    nlo = NSC // BLK
    return pl.pallas_call(
        _k5_body,
        grid=(NB,),
        in_specs=[
            pl.BlockSpec((BLK, D), lambda b: (b, 0)),
            pl.BlockSpec((BLK, D), lambda b: (jnp.minimum(b, nlo - 1), 0)),
            pl.BlockSpec((BLK, D), lambda b: (jnp.maximum(b - nlo, 0), 0)),
        ],
        out_specs=pl.BlockSpec((BLK, D), lambda b: (b, 0)),
        out_shape=jax.ShapeDtypeStruct((N, D), jnp.float32),
    )(x0f, ysum, ytc)


def kernel(x0, ln0_scale, ln0_bias, Wr, br, W1, b1, ln1_scale, ln1_bias, W2, b2):
    x0f = x0.reshape(N, D)
    xlo, xup, d0, d1, g0, g1 = _k1_call(x0f, ln0_scale, ln0_bias, Wr, br)
    d0f = d0.reshape(N)
    d1f = d1.reshape(N)
    d0r = d0.reshape(1, N)
    d1r = d1.reshape(1, N)
    gsl, osl = _k1g_call(d0r, d1r, g0.reshape(1, N), g1.reshape(1, N))
    xe = _k2_call(xlo, d0f, d1f)
    ybuf, ybf = _k3_call(xe, gsl, osl, d0r, d1r, xup,
                         W1.astype(jnp.bfloat16), b1, ln1_scale,
                         ln1_bias, W2.astype(jnp.bfloat16), b2)
    ysum = _k4_call(ybuf, d0f, d1f)
    ytc = _k4t_call(d0, d1, x0f, ybf)
    out = _k5_call(x0f, ysum, ytc)
    return out.reshape(x0.shape)

# --- scband reference (transcript-rebuilt; emitter-appended) ---
"""Pipeline reference for scband-mo-epre-activation-res-block-9560597201203 (READ-ONLY COPY).

The authoritative reference and input builder live on the scoring server;
editing this copy changes nothing except your own understanding.
"""

import math
import jax
import jax.numpy as jnp
import numpy as np

TOP_K = 2
CAPACITY_FACTOR = 1.0
MIN_CAPACITY = 1
ROUTER_TEMP = 1.0


def layer_norm(x, scale, bias, eps=1e-6):
    mean = jnp.mean(x, axis=-1, keepdims=True)
    var = jnp.var(x, axis=-1, keepdims=True)
    return (x - mean) / jnp.sqrt(var + eps) * scale + bias


def setup_inputs(seed: int = 0):
    key = jax.random.key(seed)
    ks = jax.random.split(key, 8)
    B, S, D, H, E = 1, 2048, 768, 768, 8
    x0 = jax.random.normal(ks[0], (B, S, D), dtype=jnp.float32)
    ln0_scale = jnp.ones((D,), jnp.float32)
    ln0_bias = jnp.zeros((D,), jnp.float32)
    Wr = jax.random.normal(ks[1], (D, E), dtype=jnp.float32) / math.sqrt(D)
    br = jnp.zeros((E,), jnp.float32)
    W1 = jax.random.normal(ks[2], (E, D, H), dtype=jnp.float32) / math.sqrt(D)
    b1 = jnp.zeros((E, H), jnp.float32)
    ln1_scale = jnp.ones((E, H), jnp.float32)
    ln1_bias = jnp.zeros((E, H), jnp.float32)
    W2 = jax.random.normal(ks[3], (E, H, D), dtype=jnp.float32) / math.sqrt(H)
    b2 = jnp.zeros((E, D), jnp.float32)
    return {"x0": x0, "ln0_scale": ln0_scale, "ln0_bias": ln0_bias, "Wr": Wr, "br": br,
            "W1": W1, "b1": b1, "ln1_scale": ln1_scale, "ln1_bias": ln1_bias, "W2": W2, "b2": b2}


def reference(x0, ln0_scale, ln0_bias, Wr, br, W1, b1, ln1_scale, ln1_bias, W2, b2):
    B, S, D = x0.shape
    N = B * S
    E = Wr.shape[-1]
    x0_flat = x0.reshape(N, D)
    # pre-activation: norm + relu
    x = layer_norm(x0_flat, ln0_scale, ln0_bias)
    x = jax.nn.relu(x)
    # router
    logits = x @ Wr + br
    scaled_logits = logits.astype(jnp.float32) / max(ROUTER_TEMP, 1e-06)
    top_vals, top_idx = jax.lax.top_k(scaled_logits, TOP_K)
    top_gates = jax.nn.softmax(top_vals, axis=-1)
    top_k = top_idx.shape[1]
    capacity = max(MIN_CAPACITY, int(math.ceil(CAPACITY_FACTOR * N * top_k / E)))
    # dispatch
    x_flat = jnp.repeat(x, top_k, axis=0) if top_k > 1 else x
    expert_idx = top_idx.reshape(-1)
    gate_flat = top_gates.reshape(-1).astype(jnp.float32)
    expert_one_hot = jax.nn.one_hot(expert_idx, E, dtype=jnp.int32)
    positions = jnp.cumsum(expert_one_hot, axis=0) - 1
    pos = jnp.sum(positions * expert_one_hot, axis=1).astype(jnp.int32)
    mask = (pos < capacity).astype(jnp.float32)
    pos_one_hot = jax.nn.one_hot(pos, capacity, dtype=jnp.float32)
    dispatch = expert_one_hot.astype(jnp.float32)[:, :, None] * pos_one_hot[:, None, :]
    dispatch = dispatch * mask[:, None, None]
    expert_inputs = jnp.einsum('bec,bd->ecd', dispatch, x_flat)
    # experts: MLP(node_size) = Dense + LayerNorm + relu, then Dense(out_dim), no final norm
    h = jnp.einsum('ecd,edh->ech', expert_inputs, W1) + b1[:, None, :]
    h = layer_norm(h, ln1_scale[:, None, :], ln1_bias[:, None, :])
    h = jax.nn.relu(h)
    y = jnp.einsum('ech,ehd->ecd', h, W2) + b2[:, None, :]
    # combine
    combine = dispatch * gate_flat[:, None, None]
    y_flat = jnp.einsum('bec,ecd->bd', combine, y)
    mixture = y_flat.reshape(N, top_k, D).sum(axis=1)
    mixture = mixture.reshape(B, S, D)
    return x0 + mixture

if __name__ == "__main__":
    import jax
    _d = setup_inputs()
    print(jax.jit(kernel)(*tuple(_d.values())))

</pallas_src>

<mosaic_0001>
#map = affine_map<(d0, d1) -> (0, 0)>
#map1 = affine_map<(d0, d1) -> (0)>
module attributes {stable_mosaic.version = 14 : i64} {
  func.func @_k2_body(%arg0: i32, %arg1: i32, %arg2: memref<1024x768xf32, #tpu.memory_space<hbm>>, %arg3: memref<2048xi32, #tpu.memory_space<hbm>>, %arg4: memref<2048xi32, #tpu.memory_space<hbm>>, %arg5: memref<4608x768xf32, #tpu.memory_space<hbm>>, %arg6: memref<32xi32, #tpu.memory_space<vmem>>, %arg7: memref<32xi32, #tpu.memory_space<vmem>>, %arg8: memref<32x768xf32, #tpu.memory_space<vmem>>, %arg9: memref<!tpu.dma_semaphore, #tpu.memory_space<semaphore_mem>>) attributes {dimension_semantics = [#tpu.dimension_semantics<core_parallel>, #tpu.dimension_semantics<subcore_parallel>], iteration_bounds = array<i64: 2, 16>, scalar_prefetch = 0 : i64, scratch_operands = 4 : i64, tpu.core_type = #tpu.core_type<sc_vector_subcore>, window_params = [{transform_indices = #map}, {transform_indices = #map1}, {transform_indices = #map1}, {transform_indices = #map}]} {
    %mul3A = arith.constant 2 : i32
    %mul3A_0 = arith.muli %arg1, %mul3A : i32
    %add3A = arith.addi %mul3A_0, %arg0 : i32
    %mul3A_1 = arith.constant 32 : i32
    %mul3A_2 = arith.muli %add3A, %mul3A_1 : i32
    "tpu.region"() ({
      %run_scoped3A = tpu.sem_alloc : memref<!tpu.dma_semaphore, #tpu.memory_space<semaphore_mem>>
      %dma_start3A_13 = tpu.memref_slice %arg3[%mul3A_2] : memref<2048xi32, #tpu.memory_space<hbm>> -> memref<32xi32, #tpu.memory_space<hbm>>
      %dma_start3A_14 = tpu.memref_slice %arg3[%mul3A_2] : memref<2048xi32, #tpu.memory_space<hbm>> -> memref<32xi32, #tpu.memory_space<hbm>>
      tpu.enqueue_dma source(%dma_start3A_14 : memref<32xi32, #tpu.memory_space<hbm>>) target(%arg6 : memref<32xi32, #tpu.memory_space<vmem>>) target_semaphore(%run_scoped3A : memref<!tpu.dma_semaphore, #tpu.memory_space<semaphore_mem>>)
      %dma_wait3A_15 = tpu.memref_slice %arg3[%mul3A_2] : memref<2048xi32, #tpu.memory_space<hbm>> -> memref<32xi32, #tpu.memory_space<hbm>>
      %dma_wait3A_16 = tpu.memref_slice %arg3[%mul3A_2] : memref<2048xi32, #tpu.memory_space<hbm>> -> memref<32xi32, #tpu.memory_space<hbm>>
      tpu.wait_dma2 semaphore(%run_scoped3A : memref<!tpu.dma_semaphore, #tpu.memory_space<semaphore_mem>>) src(%dma_wait3A_16 : memref<32xi32, #tpu.memory_space<hbm>>) dst(%arg6 : memref<32xi32, #tpu.memory_space<vmem>>)
      tpu.yield
    }) : () -> ()
    "tpu.region"() ({
      %run_scoped3A = tpu.sem_alloc : memref<!tpu.dma_semaphore, #tpu.memory_space<semaphore_mem>>
      %dma_start3A_13 = tpu.memref_slice %arg4[%mul3A_2] : memref<2048xi32, #tpu.memory_space<hbm>> -> memref<32xi32, #tpu.memory_space<hbm>>
      %dma_start3A_14 = tpu.memref_slice %arg4[%mul3A_2] : memref<2048xi32, #tpu.memory_space<hbm>> -> memref<32xi32, #tpu.memory_space<hbm>>
      tpu.enqueue_dma source(%dma_start3A_14 : memref<32xi32, #tpu.memory_space<hbm>>) target(%arg7 : memref<32xi32, #tpu.memory_space<vmem>>) target_semaphore(%run_scoped3A : memref<!tpu.dma_semaphore, #tpu.memory_space<semaphore_mem>>)
      %dma_wait3A_15 = tpu.memref_slice %arg4[%mul3A_2] : memref<2048xi32, #tpu.memory_space<hbm>> -> memref<32xi32, #tpu.memory_space<hbm>>
      %dma_wait3A_16 = tpu.memref_slice %arg4[%mul3A_2] : memref<2048xi32, #tpu.memory_space<hbm>> -> memref<32xi32, #tpu.memory_space<hbm>>
      tpu.wait_dma2 semaphore(%run_scoped3A : memref<!tpu.dma_semaphore, #tpu.memory_space<semaphore_mem>>) src(%dma_wait3A_16 : memref<32xi32, #tpu.memory_space<hbm>>) dst(%arg7 : memref<32xi32, #tpu.memory_space<vmem>>)
      tpu.yield
    }) : () -> ()
    "tpu.region"() ({
      %run_scoped3A = tpu.sem_alloc : memref<!tpu.dma_semaphore, #tpu.memory_space<semaphore_mem>>
      %dma_start3A_13 = arith.constant 0 : i32
      %dma_start3A_14 = tpu.memref_slice %arg2[%mul3A_2, %dma_start3A_13] : memref<1024x768xf32, #tpu.memory_space<hbm>> -> memref<32x768xf32, #tpu.memory_space<hbm>>
      %dma_start3A_15 = arith.constant 0 : i32
      %dma_start3A_16 = tpu.memref_slice %arg2[%mul3A_2, %dma_start3A_15] : memref<1024x768xf32, #tpu.memory_space<hbm>> -> memref<32x768xf32, #tpu.memory_space<hbm>>
      tpu.enqueue_dma source(%dma_start3A_16 : memref<32x768xf32, #tpu.memory_space<hbm>>) target(%arg8 : memref<32x768xf32, #tpu.memory_space<vmem>>) target_semaphore(%run_scoped3A : memref<!tpu.dma_semaphore, #tpu.memory_space<semaphore_mem>>)
      %dma_wait3A_17 = arith.constant 0 : i32
      %dma_wait3A_18 = tpu.memref_slice %arg2[%mul3A_2, %dma_wait3A_17] : memref<1024x768xf32, #tpu.memory_space<hbm>> -> memref<32x768xf32, #tpu.memory_space<hbm>>
      %dma_wait3A_19 = arith.constant 0 : i32
      %dma_wait3A_20 = tpu.memref_slice %arg2[%mul3A_2, %dma_wait3A_19] : memref<1024x768xf32, #tpu.memory_space<hbm>> -> memref<32x768xf32, #tpu.memory_space<hbm>>
      tpu.wait_dma2 semaphore(%run_scoped3A : memref<!tpu.dma_semaphore, #tpu.memory_space<semaphore_mem>>) src(%dma_wait3A_20 : memref<32x768xf32, #tpu.memory_space<hbm>>) dst(%arg8 : memref<32x768xf32, #tpu.memory_space<vmem>>)
      tpu.yield
    }) : () -> ()
    %dma_start3A = arith.constant 0 : i32
    %dma_start3A_3 = arith.constant 0 : i32
    %dma_start3A_4 = tpu.memref_slice %arg5[%dma_start3A, %dma_start3A_3] : memref<4608x768xf32, #tpu.memory_space<hbm>> -> memref<4608x768xf32, #tpu.memory_space<hbm>>
    tpu.enqueue_indirect_dma source(%arg8 : memref<32x768xf32, #tpu.memory_space<vmem>>) target(%dma_start3A_4 : memref<4608x768xf32, #tpu.memory_space<hbm>>) offsets(%arg6 : memref<32xi32, #tpu.memory_space<vmem>>) semaphore(%arg9 : memref<!tpu.dma_semaphore, #tpu.memory_space<semaphore_mem>>)
    %dma_wait3A = arith.constant 0 : i32
    %dma_wait3A_5 = arith.constant 0 : i32
    %dma_wait3A_6 = tpu.memref_slice %arg5[%dma_wait3A, %dma_wait3A_5] : memref<4608x768xf32, #tpu.memory_space<hbm>> -> memref<4608x768xf32, #tpu.memory_space<hbm>>
    tpu.wait_indirect_dma semaphore(%arg9 : memref<!tpu.dma_semaphore, #tpu.memory_space<semaphore_mem>>) src(%arg8 : memref<32x768xf32, #tpu.memory_space<vmem>>) dst(%dma_wait3A_6 : memref<4608x768xf32, #tpu.memory_space<hbm>>)
    %dma_start3A_7 = arith.constant 0 : i32
    %dma_start3A_8 = arith.constant 0 : i32
    %dma_start3A_9 = tpu.memref_slice %arg5[%dma_start3A_7, %dma_start3A_8] : memref<4608x768xf32, #tpu.memory_space<hbm>> -> memref<4608x768xf32, #tpu.memory_space<hbm>>
    tpu.enqueue_indirect_dma source(%arg8 : memref<32x768xf32, #tpu.memory_space<vmem>>) target(%dma_start3A_9 : memref<4608x768xf32, #tpu.memory_space<hbm>>) offsets(%arg7 : memref<32xi32, #tpu.memory_space<vmem>>) semaphore(%arg9 : memref<!tpu.dma_semaphore, #tpu.memory_space<semaphore_mem>>)
    %dma_wait3A_10 = arith.constant 0 : i32
    %dma_wait3A_11 = arith.constant 0 : i32
    %dma_wait3A_12 = tpu.memref_slice %arg5[%dma_wait3A_10, %dma_wait3A_11] : memref<4608x768xf32, #tpu.memory_space<hbm>> -> memref<4608x768xf32, #tpu.memory_space<hbm>>
    tpu.wait_indirect_dma semaphore(%arg9 : memref<!tpu.dma_semaphore, #tpu.memory_space<semaphore_mem>>) src(%arg8 : memref<32x768xf32, #tpu.memory_space<vmem>>) dst(%dma_wait3A_12 : memref<4608x768xf32, #tpu.memory_space<hbm>>)
    return
  }
}

#map = affine_map<(d0, d1) -> (0, 0)>
#map1 = affine_map<(d0, d1) -> (0)>
module attributes {stable_mosaic.version = 14 : i64} {
  func.func @_k4_body(%arg0: i32, %arg1: i32, %arg2: memref<4608x768xf32, #tpu.memory_space<hbm>>, %arg3: memref<2048xi32, #tpu.memory_space<hbm>>, %arg4: memref<2048xi32, #tpu.memory_space<hbm>>, %arg5: memref<1024x768xf32, #tpu.memory_space<hbm>>, %arg6: memref<32xi32, #tpu.memory_space<vmem>>, %arg7: memref<32xi32, #tpu.memory_space<vmem>>, %arg8: memref<32x768xf32, #tpu.memory_space<vmem>>, %arg9: memref<32x768xf32, #tpu.memory_space<vmem>>, %arg10: memref<!tpu.dma_semaphore, #tpu.memory_space<semaphore_mem>>) attributes {dimension_semantics = [#tpu.dimension_semantics<core_parallel>, #tpu.dimension_semantics<subcore_parallel>], iteration_bounds = array<i64: 2, 16>, scalar_prefetch = 0 : i64, scratch_operands = 5 : i64, tpu.core_type = #tpu.core_type<sc_vector_subcore>, window_params = [{transform_indices = #map}, {transform_indices = #map1}, {transform_indices = #map1}, {transform_indices = #map}]} {
    %mul3A = arith.constant 2 : i32
    %mul3A_0 = arith.muli %arg1, %mul3A : i32
    %add3A = arith.addi %mul3A_0, %arg0 : i32
    %mul3A_1 = arith.constant 32 : i32
    %mul3A_2 = arith.muli %add3A, %mul3A_1 : i32
    "tpu.region"() ({
      %run_scoped3A = tpu.sem_alloc : memref<!tpu.dma_semaphore, #tpu.memory_space<semaphore_mem>>
      %dma_start3A_19 = tpu.memref_slice %arg3[%mul3A_2] : memref<2048xi32, #tpu.memory_space<hbm>> -> memref<32xi32, #tpu.memory_space<hbm>>
      %dma_start3A_20 = tpu.memref_slice %arg3[%mul3A_2] : memref<2048xi32, #tpu.memory_space<hbm>> -> memref<32xi32, #tpu.memory_space<hbm>>
      tpu.enqueue_dma source(%dma_start3A_20 : memref<32xi32, #tpu.memory_space<hbm>>) target(%arg6 : memref<32xi32, #tpu.memory_space<vmem>>) target_semaphore(%run_scoped3A : memref<!tpu.dma_semaphore, #tpu.memory_space<semaphore_mem>>)
      %dma_wait3A_21 = tpu.memref_slice %arg3[%mul3A_2] : memref<2048xi32, #tpu.memory_space<hbm>> -> memref<32xi32, #tpu.memory_space<hbm>>
      %dma_wait3A_22 = tpu.memref_slice %arg3[%mul3A_2] : memref<2048xi32, #tpu.memory_space<hbm>> -> memref<32xi32, #tpu.memory_space<hbm>>
      tpu.wait_dma2 semaphore(%run_scoped3A : memref<!tpu.dma_semaphore, #tpu.memory_space<semaphore_mem>>) src(%dma_wait3A_22 : memref<32xi32, #tpu.memory_space<hbm>>) dst(%arg6 : memref<32xi32, #tpu.memory_space<vmem>>)
      tpu.yield
    }) : () -> ()
    "tpu.region"() ({
      %run_scoped3A = tpu.sem_alloc : memref<!tpu.dma_semaphore, #tpu.memory_space<semaphore_mem>>
      %dma_start3A_19 = tpu.memref_slice %arg4[%mul3A_2] : memref<2048xi32, #tpu.memory_space<hbm>> -> memref<32xi32, #tpu.memory_space<hbm>>
      %dma_start3A_20 = tpu.memref_slice %arg4[%mul3A_2] : memref<2048xi32, #tpu.memory_space<hbm>> -> memref<32xi32, #tpu.memory_space<hbm>>
      tpu.enqueue_dma source(%dma_start3A_20 : memref<32xi32, #tpu.memory_space<hbm>>) target(%arg7 : memref<32xi32, #tpu.memory_space<vmem>>) target_semaphore(%run_scoped3A : memref<!tpu.dma_semaphore, #tpu.memory_space<semaphore_mem>>)
      %dma_wait3A_21 = tpu.memref_slice %arg4[%mul3A_2] : memref<2048xi32, #tpu.memory_space<hbm>> -> memref<32xi32, #tpu.memory_space<hbm>>
      %dma_wait3A_22 = tpu.memref_slice %arg4[%mul3A_2] : memref<2048xi32, #tpu.memory_space<hbm>> -> memref<32xi32, #tpu.memory_space<hbm>>
      tpu.wait_dma2 semaphore(%run_scoped3A : memref<!tpu.dma_semaphore, #tpu.memory_space<semaphore_mem>>) src(%dma_wait3A_22 : memref<32xi32, #tpu.memory_space<hbm>>) dst(%arg7 : memref<32xi32, #tpu.memory_space<vmem>>)
      tpu.yield
    }) : () -> ()
    %dma_start3A = arith.constant 0 : i32
    %dma_start3A_3 = arith.constant 0 : i32
    %dma_start3A_4 = tpu.memref_slice %arg2[%dma_start3A, %dma_start3A_3] : memref<4608x768xf32, #tpu.memory_space<hbm>> -> memref<4608x768xf32, #tpu.memory_space<hbm>>
    tpu.enqueue_indirect_dma source(%dma_start3A_4 : memref<4608x768xf32, #tpu.memory_space<hbm>>) target(%arg8 : memref<32x768xf32, #tpu.memory_space<vmem>>) offsets(%arg6 : memref<32xi32, #tpu.memory_space<vmem>>) semaphore(%arg10 : memref<!tpu.dma_semaphore, #tpu.memory_space<semaphore_mem>>)
    %dma_wait3A = arith.constant 0 : i32
    %dma_wait3A_5 = arith.constant 0 : i32
    %dma_wait3A_6 = tpu.memref_slice %arg2[%dma_wait3A, %dma_wait3A_5] : memref<4608x768xf32, #tpu.memory_space<hbm>> -> memref<4608x768xf32, #tpu.memory_space<hbm>>
    tpu.wait_indirect_dma semaphore(%arg10 : memref<!tpu.dma_semaphore, #tpu.memory_space<semaphore_mem>>) src(%dma_wait3A_6 : memref<4608x768xf32, #tpu.memory_space<hbm>>) dst(%arg8 : memref<32x768xf32, #tpu.memory_space<vmem>>)
    %dma_start3A_7 = arith.constant 0 : i32
    %dma_start3A_8 = arith.constant 0 : i32
    %dma_start3A_9 = tpu.memref_slice %arg2[%dma_start3A_7, %dma_start3A_8] : memref<4608x768xf32, #tpu.memory_space<hbm>> -> memref<4608x768xf32, #tpu.memory_space<hbm>>
    tpu.enqueue_indirect_dma source(%dma_start3A_9 : memref<4608x768xf32, #tpu.memory_space<hbm>>) target(%arg9 : memref<32x768xf32, #tpu.memory_space<vmem>>) offsets(%arg7 : memref<32xi32, #tpu.memory_space<vmem>>) semaphore(%arg10 : memref<!tpu.dma_semaphore, #tpu.memory_space<semaphore_mem>>)
    %dma_wait3A_10 = arith.constant 0 : i32
    %dma_wait3A_11 = arith.constant 0 : i32
    %dma_wait3A_12 = tpu.memref_slice %arg2[%dma_wait3A_10, %dma_wait3A_11] : memref<4608x768xf32, #tpu.memory_space<hbm>> -> memref<4608x768xf32, #tpu.memory_space<hbm>>
    tpu.wait_indirect_dma semaphore(%arg10 : memref<!tpu.dma_semaphore, #tpu.memory_space<semaphore_mem>>) src(%dma_wait3A_12 : memref<4608x768xf32, #tpu.memory_space<hbm>>) dst(%arg9 : memref<32x768xf32, #tpu.memory_space<vmem>>)
    %scan3A = arith.constant 0 : i32
    %scan3A_13 = arith.constant 0 : i32
    %scan3A_14 = arith.constant 32 : i32
    %scan3A_15 = arith.addi %scan3A_13, %scan3A_14 : i32
    %scan3A_16 = arith.constant 1 : i32
    %scan3A_17 = scf.for %scan3A_19 = %scan3A_13 to %scan3A_15 step %scan3A_16 iter_args(%scan3A_20 = %scan3A) -> (i32)  : i32 {
      %get3A = arith.index_cast %scan3A_19 : i32 to index
      %get3A_21 = arith.constant 0 : index
      %get3A_22 = tpu.vector_load %arg8[%get3A, %get3A_21] {strides = array<i32>} : memref<32x768xf32, #tpu.memory_space<vmem>>, vector<1x16xf32>,
      %get3A_23 = vector.shape_cast %get3A_22 : vector<1x16xf32> to vector<16xf32>
      %get3A_24 = arith.index_cast %scan3A_19 : i32 to index
      %get3A_25 = arith.constant 0 : index
      %get3A_26 = tpu.vector_load %arg9[%get3A_24, %get3A_25] {strides = array<i32>} : memref<32x768xf32, #tpu.memory_space<vmem>>, vector<1x16xf32>,
      %get3A_27 = vector.shape_cast %get3A_26 : vector<1x16xf32> to vector<16xf32>
      %add3A_28 = arith.addf %get3A_23, %get3A_27 : vector<16xf32>
      %swap3A = arith.index_cast %scan3A_19 : i32 to index
      %swap3A_29 = arith.constant 0 : index
      %swap3A_30 = tpu.vector_load %arg8[%swap3A, %swap3A_29] {strides = array<i32>} : memref<32x768xf32, #tpu.memory_space<vmem>>, vector<1x16xf32>,
      %swap3A_31 = vector.shape_cast %swap3A_30 : vector<1x16xf32> to vector<16xf32>
      %swap3A_32 = vector.shape_cast %add3A_28 : vector<16xf32> to vector<1x16xf32>
      tpu.vector_store %arg8[%swap3A, %swap3A_29], %swap3A_32 {strides = array<i32>} : memref<32x768xf32, #tpu.memory_space<vmem>>, vector<1x16xf32>,
      %get3A_33 = arith.index_cast %scan3A_19 : i32 to index
      %get3A_34 = arith.constant 16 : index
      %get3A_35 = tpu.vector_load %arg8[%get3A_33, %get3A_34] {strides = array<i32>} : memref<32x768xf32, #tpu.memory_space<vmem>>, vector<1x16xf32>,
      %get3A_36 = vector.shape_cast %get3A_35 : vector<1x16xf32> to vector<16xf32>
      %get3A_37 = arith.index_cast %scan3A_19 : i32 to index
      %get3A_38 = arith.constant 16 : index
      %get3A_39 = tpu.vector_load %arg9[%get3A_37, %get3A_38] {strides = array<i32>} : memref<32x768xf32, #tpu.memory_space<vmem>>, vector<1x16xf32>,
      %get3A_40 = vector.shape_cast %get3A_39 : vector<1x16xf32> to vector<16xf32>
      %add3A_41 = arith.addf %get3A_36, %get3A_40 : vector<16xf32>
      %swap3A_42 = arith.index_cast %scan3A_19 : i32 to index
      %swap3A_43 = arith.constant 16 : index
      %swap3A_44 = tpu.vector_load %arg8[%swap3A_42, %swap3A_43] {strides = array<i32>} : memref<32x768xf32, #tpu.memory_space<vmem>>, vector<1x16xf32>,
      %swap3A_45 = vector.shape_cast %swap3A_44 : vector<1x16xf32> to vector<16xf32>
      %swap3A_46 = vector.shape_cast %add3A_41 : vector<16xf32> to vector<1x16xf32>
      tpu.vector_store %arg8[%swap3A_42, %swap3A_43], %swap3A_46 {strides = array<i32>} : memref<32x768xf32, #tpu.memory_space<vmem>>, vector<1x16xf32>,
      %get3A_47 = arith.index_cast %scan3A_19 : i32 to index
      %get3A_48 = arith.constant 32 : index
      %get3A_49 = tpu.vector_load %arg8[%get3A_47, %get3A_48] {strides = array<i32>} : memref<32x768xf32, #tpu.memory_space<vmem>>, vector<1x16xf32>,
      %get3A_50 = vector.shape_cast %get3A_49 : vector<1x16xf32> to vector<16xf32>
      %get3A_51 = arith.index_cast %scan3A_19 : i32 to index
      %get3A_52 = arith.constant 32 : index
      %get3A_53 = tpu.vector_load %arg9[%get3A_51, %get3A_52] {strides = array<i32>} : memref<32x768xf32, #tpu.memory_space<vmem>>, vector<1x16xf32>,
      %get3A_54 = vector.shape_cast %get3A_53 : vector<1x16xf32> to vector<16xf32>
      %add3A_55 = arith.addf %get3A_50, %get3A_54 : vector<16xf32>
      %swap3A_56 = arith.index_cast %scan3A_19 : i32 to index
      %swap3A_57 = arith.constant 32 : index
      %swap3A_58 = tpu.vector_load %arg8[%swap3A_56, %swap3A_57] {strides = array<i32>} : memref<32x768xf32, #tpu.memory_space<vmem>>, vector<1x16xf32>,
      %swap3A_59 = vector.shape_cast %swap3A_58 : vector<1x16xf32> to vector<16xf32>
      %swap3A_60 = vector.shape_cast %add3A_55 : vector<16xf32> to vector<1x16xf32>
      tpu.vector_store %arg8[%swap3A_56, %swap3A_57], %swap3A_60 {strides = array<i32>} : memref<32x768xf32, #tpu.memory_space<vmem>>, vector<1x16xf32>,
      %get3A_61 = arith.index_cast %scan3A_19 : i32 to index
      %get3A_62 = arith.constant 48 : index
      %get3A_63 = tpu.vector_load %arg8[%get3A_61, %get3A_62] {strides = array<i32>} : memref<32x768xf32, #tpu.memory_space<vmem>>, vector<1x16xf32>,
      %get3A_64 = vector.shape_cast %get3A_63 : vector<1x16xf32> to vector<16xf32>
      %get3A_65 = arith.index_cast %scan3A_19 : i32 to index
      %get3A_66 = arith.constant 48 : index
      %get3A_67 = tpu.vector_load %arg9[%get3A_65, %get3A_66] {strides = array<i32>} : memref<32x768xf32, #tpu.memory_space<vmem>>, vector<1x16xf32>,
      %get3A_68 = vector.shape_cast %get3A_67 : vector<1x16xf32> to vector<16xf32>
      %add3A_69 = arith.addf %get3A_64, %get3A_68 : vector<16xf32>
      %swap3A_70 = arith.index_cast %scan3A_19 : i32 to index
      %swap3A_71 = arith.constant 48 : index
      %swap3A_72 = tpu.vector_load %arg8[%swap3A_70, %swap3A_71] {strides = array<i32>} : memref<32x768xf32, #tpu.memory_space<vmem>>, vector<1x16xf32>,
      %swap3A_73 = vector.shape_cast %swap3A_72 : vector<1x16xf32> to vector<16xf32>
      %swap3A_74 = vector.shape_cast %add3A_69 : vector<16xf32> to vector<1x16xf32>
      tpu.vector_store %arg8[%swap3A_70, %swap3A_71], %swap3A_74 {strides = array<i32>} : memref<32x768xf32, #tpu.memory_space<vmem>>, vector<1x16xf32>,
      %get3A_75 = arith.index_cast %scan3A_19 : i32 to index
      %get3A_76 = arith.constant 64 : index
      %get3A_77 = tpu.vector_load %arg8[%get3A_75, %get3A_76] {strides = array<i32>} : memref<32x768xf32, #tpu.memory_space<vmem>>, vector<1x16xf32>,
      %get3A_78 = vector.shape_cast %get3A_77 : vector<1x16xf32> to vector<16xf32>
      %get3A_79 = arith.index_cast %scan3A_19 : i32 to index
      %get3A_80 = arith.constant 64 : index
      %get3A_81 = tpu.vector_load %arg9[%get3A_79, %get3A_80] {strides = array<i32>} : memref<32x768xf32, #tpu.memory_space<vmem>>, vector<1x16xf32>,
      %get3A_82 = vector.shape_cast %get3A_81 : vector<1x16xf32> to vector<16xf32>
      %add3A_83 = arith.addf %get3A_78, %get3A_82 : vector<16xf32>
      %swap3A_84 = arith.index_cast %scan3A_19 : i32 to index
      %swap3A_85 = arith.constant 64 : index
      %swap3A_86 = tpu.vector_load %arg8[%swap3A_84, %swap3A_85] {strides = array<i32>} : memref<32x768xf32, #tpu.memory_space<vmem>>, vector<1x16xf32>,
      %swap3A_87 = vector.shape_cast %swap3A_86 : vector<1x16xf32> to vector<16xf32>
      %swap3A_88 = vector.shape_cast %add3A_83 : vector<16xf32> to vector<1x16xf32>
      tpu.vector_store %arg8[%swap3A_84, %swap3A_85], %swap3A_88 {strides = array<i32>} : memref<32x768xf32, #tpu.memory_space<vmem>>, vector<1x16xf32>,
      %get3A_89 = arith.index_cast %scan3A_19 : i32 to index
      %get3A_90 = arith.constant 80 : index
      %get3A_91 = tpu.vector_load %arg8[%get3A_89, %get3A_90] {strides = array<i32>} : memref<32x768xf32, #tpu.memory_space<vmem>>, vector<1x16xf32>,
      %get3A_92 = vector.shape_cast %get3A_91 : vector<1x16xf32> to vector<16xf32>
      %get3A_93 = arith.index_cast %scan3A_19 : i32 to index
      %get3A_94 = arith.constant 80 : index
      %get3A_95 = tpu.vector_load %arg9[%get3A_93, %get3A_94] {strides = array<i32>} : memref<32x768xf32, #tpu.memory_space<vmem>>, vector<1x16xf32>,
      %get3A_96 = vector.shape_cast %get3A_95 : vector<1x16xf32> to vector<16xf32>
      %add3A_97 = arith.addf %get3A_92, %get3A_96 : vector<16xf32>
      %swap3A_98 = arith.index_cast %scan3A_19 : i32 to index
      %swap3A_99 = arith.constant 80 : index
      %swap3A_100 = tpu.vector_load %arg8[%swap3A_98, %swap3A_99] {strides = array<i32>} : memref<32x768xf32, #tpu.memory_space<vmem>>, vector<1x16xf32>,
      %swap3A_101 = vector.shape_cast %swap3A_100 : vector<1x16xf32> to vector<16xf32>
      %swap3A_102 = vector.shape_cast %add3A_97 : vector<16xf32> to vector<1x16xf32>
      tpu.vector_store %arg8[%swap3A_98, %swap3A_99], %swap3A_102 {strides = array<i32>} : memref<32x768xf32, #tpu.memory_space<vmem>>, vector<1x16xf32>,
      %get3A_103 = arith.index_cast %scan3A_19 : i32 to index
      %get3A_104 = arith.constant 96 : index
      %get3A_105 = tpu.vector_load %arg8[%get3A_103, %get3A_104] {strides = array<i32>} : memref<32x768xf32, #tpu.memory_space<vmem>>, vector<1x16xf32>,
      %get3A_106 = vector.shape_cast %get3A_105 : vector<1x16xf32> to vector<16xf32>
      %get3A_107 = arith.index_cast %scan3A_19 : i32 to index
      %get3A_108 = arith.constant 96 : index
      %get3A_109 = tpu.vector_load %arg9[%get3A_107, %get3A_108] {strides = array<i32>} : memref<32x768xf32, #tpu.memory_space<vmem>>, vector<1x16xf32>,
      %get3A_110 = vector.shape_cast %get3A_109 : vector<1x16xf32> to vector<16xf32>
      %add3A_111 = arith.addf %get3A_106, %get3A_110 : vector<16xf32>
      %swap3A_112 = arith.index_cast %scan3A_19 : i32 to index
      %swap3A_113 = arith.constant 96 : index
      %swap3A_114 = tpu.vector_load %arg8[%swap3A_112, %swap3A_113] {strides = array<i32>} : memref<32x768xf32, #tpu.memory_space<vmem>>, vector<1x16xf32>,
      %swap3A_115 = vector.shape_cast %swap3A_114 : vector<1x16xf32> to vector<16xf32>
      %swap3A_116 = vector.shape_cast %add3A_111 : vector<16xf32> to vector<1x16xf32>
      tpu.vector_store %arg8[%swap3A_112, %swap3A_113], %swap3A_116 {strides = array<i32>} : memref<32x768xf32, #tpu.memory_space<vmem>>, vector<1x16xf32>,
      %get3A_117 = arith.index_cast %scan3A_19 : i32 to index
      %get3A_118 = arith.constant 112 : index
      %get3A_119 = tpu.vector_load %arg8[%get3A_117, %get3A_118] {strides = array<i32>} : memref<32x768xf32, #tpu.memory_space<vmem>>, vector<1x16xf32>,
      %get3A_120 = vector.shape_cast %get3A_119 : vector<1x16xf32> to vector<16xf32>
      %get3A_121 = arith.index_cast %scan3A_19 : i32 to index
      %get3A_122 = arith.constant 112 : index
      %get3A_123 = tpu.vector_load %arg9[%get3A_121, %get3A_122] {strides = array<i32>} : memref<32x768xf32, #tpu.memory_space<vmem>>, vector<1x16xf32>,
      %get3A_124 = vector.shape_cast %get3A_123 : vector<1x16xf32> to vector<16xf32>
      %add3A_125 = arith.addf %get3A_120, %get3A_124 : vector<16xf32>
      %swap3A_126 = arith.index_cast %scan3A_19 : i32 to index
      %swap3A_127 = arith.constant 112 : index
      %swap3A_128 = tpu.vector_load %arg8[%swap3A_126, %swap3A_127] {strides = array<i32>} : memref<32x768xf32, #tpu.memory_space<vmem>>, vector<1x16xf32>,
      %swap3A_129 = vector.shape_cast %swap3A_128 : vector<1x16xf32> to vector<16xf32>
      %swap3A_130 = vector.shape_cast %add3A_125 : vector<16xf32> to vector<1x16xf32>
      tpu.vector_store %arg8[%swap3A_126, %swap3A_127], %swap3A_130 {strides = array<i32>} : memref<32x768xf32, #tpu.memory_space<vmem>>, vector<1x16xf32>,
      %get3A_131 = arith.index_cast %scan3A_19 : i32 to index
      %get3A_132 = arith.constant 128 : index
      %get3A_133 = tpu.vector_load %arg8[%get3A_131, %get3A_132] {strides = array<i32>} : memref<32x768xf32, #tpu.memory_space<vmem>>, vector<1x16xf32>,
      %get3A_134 = vector.shape_cast %get3A_133 : vector<1x16xf32> to vector<16xf32>
      %get3A_135 = arith.index_cast %scan3A_19 : i32 to index
      %get3A_136 = arith.constant 128 : index
      %get3A_137 = tpu.vector_load %arg9[%get3A_135, %get3A_136] {strides = array<i32>} : memref<32x768xf32, #tpu.memory_space<vmem>>, vector<1x16xf32>,
      %get3A_138 = vector.shape_cast %get3A_137 : vector<1x16xf32> to vector<16xf32>
      %add3A_139 = arith.addf %get3A_134, %get3A_138 : vector<16xf32>
      %swap3A_140 = arith.index_cast %scan3A_19 : i32 to index
      %swap3A_141 = arith.constant 128 : index
      %swap3A_142 = tpu.vector_load %arg8[%swap3A_140, %swap3A_141] {strides = array<i32>} : memref<32x768xf32, #tpu.memory_space<vmem>>, vector<1x16xf32>,
      %swap3A_143 = vector.shape_cast %swap3A_142 : vector<1x16xf32> to vector<16xf32>
      %swap3A_144 = vector.shape_cast %add3A_139 : vector<16xf32> to vector<1x16xf32>
      tpu.vector_store %arg8[%swap3A_140, %swap3A_141], %swap3A_144 {strides = array<i32>} : memref<32x768xf32, #tpu.memory_space<vmem>>, vector<1x16xf32>,
      %get3A_145 = arith.index_cast %scan3A_19 : i32 to index
      %get3A_146 = arith.constant 144 : index
      %get3A_147 = tpu.vector_load %arg8[%get3A_145, %get3A_146] {strides = array<i32>} : memref<32x768xf32, #tpu.memory_space<vmem>>, vector<1x16xf32>,
      %get3A_148 = vector.shape_cast %get3A_147 : vector<1x16xf32> to vector<16xf32>
      %get3A_149 = arith.index_cast %scan3A_19 : i32 to index
      %get3A_150 = arith.constant 144 : index
      %get3A_151 = tpu.vector_load %arg9[%get3A_149, %get3A_150] {strides = array<i32>} : memref<32x768xf32, #tpu.memory_space<vmem>>, vector<1x16xf32>,
      %get3A_152 = vector.shape_cast %get3A_151 : vector<1x16xf32> to vector<16xf32>
      %add3A_153 = arith.addf %get3A_148, %get3A_152 : vector<16xf32>
      %swap3A_154 = arith.index_cast %scan3A_19 : i32 to index
      %swap3A_155 = arith.constant 144 : index
      %swap3A_156 = tpu.vector_load %arg8[%swap3A_154, %swap3A_155] {strides = array<i32>} : memref<32x768xf32, #tpu.memory_space<vmem>>, vector<1x16xf32>,
      %swap3A_157 = vector.shape_cast %swap3A_156 : vector<1x16xf32> to vector<16xf32>
      %swap3A_158 = vector.shape_cast %add3A_153 : vector<16xf32> to vector<1x16xf32>
      tpu.vector_store %arg8[%swap3A_154, %swap3A_155], %swap3A_158 {strides = array<i32>} : memref<32x768xf32, #tpu.memory_space<vmem>>, vector<1x16xf32>,
      %get3A_159 = arith.index_cast %scan3A_19 : i32 to index
      %get3A_160 = arith.constant 160 : index
      %get3A_161 = tpu.vector_load %arg8[%get3A_159, %get3A_160] {strides = array<i32>} : memref<32x768xf32, #tpu.memory_space<vmem>>, vector<1x16xf32>,
      %get3A_162 = vector.shape_cast %get3A_161 : vector<1x16xf32> to vector<16xf32>
      %get3A_163 = arith.index_cast %scan3A_19 : i32 to index
      %get3A_164 = arith.constant 160 : index
      %get3A_165 = tpu.vector_load %arg9[%get3A_163, %get3A_164] {strides = array<i32>} : memref<32x768xf32, #tpu.memory_space<vmem>>, vector<1x16xf32>,
      %get3A_166 = vector.shape_cast %get3A_165 : vector<1x16xf32> to vector<16xf32>
      %add3A_167 = arith.addf %get3A_162, %get3A_166 : vector<16xf32>
      %swap3A_168 = arith.index_cast %scan3A_19 : i32 to index
      %swap3A_169 = arith.constant 160 : index
      %swap3A_170 = tpu.vector_load %arg8[%swap3A_168, %swap3A_169] {strides = array<i32>} : memref<32x768xf32, #tpu.memory_space<vmem>>, vector<1x16xf32>,
      %swap3A_171 = vector.shape_cast %swap3A_170 : vector<1x16xf32> to vector<16xf32>
      %swap3A_172 = vector.shape_cast %add3A_167 : vector<16xf32> to vector<1x16xf32>
      tpu.vector_store %arg8[%swap3A_168, %swap3A_169], %swap3A_172 {strides = array<i32>} : memref<32x768xf32, #tpu.memory_space<vmem>>, vector<1x16xf32>,
      %get3A_173 = arith.index_cast %scan3A_19 : i32 to index
      %get3A_174 = arith.constant 176 : index
      %get3A_175 = tpu.vector_load %arg8[%get3A_173, %get3A_174] {strides = array<i32>} : memref<32x768xf32, #tpu.memory_space<vmem>>, vector<1x16xf32>,
      %get3A_176 = vector.shape_cast %get3A_175 : vector<1x16xf32> to vector<16xf32>
      %get3A_177 = arith.index_cast %scan3A_19 : i32 to index
      %get3A_178 = arith.constant 176 : index
      %get3A_179 = tpu.vector_load %arg9[%get3A_177, %get3A_178] {strides = array<i32>} : memref<32x768xf32, #tpu.memory_space<vmem>>, vector<1x16xf32>,
      %get3A_180 = vector.shape_cast %get3A_179 : vector<1x16xf32> to vector<16xf32>
      %add3A_181 = arith.addf %get3A_176, %get3A_180 : vector<16xf32>
      %swap3A_182 = arith.index_cast %scan3A_19 : i32 to index
      %swap3A_183 = arith.constant 176 : index
      %swap3A_184 = tpu.vector_load %arg8[%swap3A_182, %swap3A_183] {strides = array<i32>} : memref<32x768xf32, #tpu.memory_space<vmem>>, vector<1x16xf32>,
      %swap3A_185 = vector.shape_cast %swap3A_184 : vector<1x16xf32> to vector<16xf32>
      %swap3A_186 = vector.shape_cast %add3A_181 : vector<16xf32> to vector<1x16xf32>
      tpu.vector_store %arg8[%swap3A_182, %swap3A_183], %swap3A_186 {strides = array<i32>} : memref<32x768xf32, #tpu.memory_space<vmem>>, vector<1x16xf32>,
      %get3A_187 = arith.index_cast %scan3A_19 : i32 to index
      %get3A_188 = arith.constant 192 : index
      %get3A_189 = tpu.vector_load %arg8[%get3A_187, %get3A_188] {strides = array<i32>} : memref<32x768xf32, #tpu.memory_space<vmem>>, vector<1x16xf32>,
      %get3A_190 = vector.shape_cast %get3A_189 : vector<1x16xf32> to vector<16xf32>
      %get3A_191 = arith.index_cast %scan3A_19 : i32 to index
      %get3A_192 = arith.constant 192 : index
      %get3A_193 = tpu.vector_load %arg9[%get3A_191, %get3A_192] {strides = array<i32>} : memref<32x768xf32, #tpu.memory_space<vmem>>, vector<1x16xf32>,
      %get3A_194 = vector.shape_cast %get3A_193 : vector<1x16xf32> to vector<16xf32>
      %add3A_195 = arith.addf %get3A_190, %get3A_194 : vector<16xf32>
      %swap3A_196 = arith.index_cast %scan3A_19 : i32 to index
      %swap3A_197 = arith.constant 192 : index
      %swap3A_198 = tpu.vector_load %arg8[%swap3A_196, %swap3A_197] {strides = array<i32>} : memref<32x768xf32, #tpu.memory_space<vmem>>, vector<1x16xf32>,
      %swap3A_199 = vector.shape_cast %swap3A_198 : vector<1x16xf32> to vector<16xf32>
      %swap3A_200 = vector.shape_cast %add3A_195 : vector<16xf32> to vector<1x16xf32>
      tpu.vector_store %arg8[%swap3A_196, %swap3A_197], %swap3A_200 {strides = array<i32>} : memref<32x768xf32, #tpu.memory_space<vmem>>, vector<1x16xf32>,
      %get3A_201 = arith.index_cast %scan3A_19 : i32 to index
      %get3A_202 = arith.constant 208 : index
      %get3A_203 = tpu.vector_load %arg8[%get3A_201, %get3A_202] {strides = array<i32>} : memref<32x768xf32, #tpu.memory_space<vmem>>, vector<1x16xf32>,
      %get3A_204 = vector.shape_cast %get3A_203 : vector<1x16xf32> to vector<16xf32>
      %get3A_205 = arith.index_cast %scan3A_19 : i32 to index
      %get3A_206 = arith.constant 208 : index
      %get3A_207 = tpu.vector_load %arg9[%get3A_205, %get3A_206] {strides = array<i32>} : memref<32x768xf32, #tpu.memory_space<vmem>>, vector<1x16xf32>,
      %get3A_208 = vector.shape_cast %get3A_207 : vector<1x16xf32> to vector<16xf32>
      %add3A_209 = arith.addf %get3A_204, %get3A_208 : vector<16xf32>
      %swap3A_210 = arith.index_cast %scan3A_19 : i32 to index
      %swap3A_211 = arith.constant 208 : index
      %swap3A_212 = tpu.vector_load %arg8[%swap3A_210, %swap3A_211] {strides = array<i32>} : memref<32x768xf32, #tpu.memory_space<vmem>>, vector<1x16xf32>,
      %swap3A_213 = vector.shape_cast %swap3A_212 : vector<1x16xf32> to vector<16xf32>
      %swap3A_214 = vector.shape_cast %add3A_209 : vector<16xf32> to vector<1x16xf32>
      tpu.vector_store %arg8[%swap3A_210, %swap3A_211], %swap3A_214 {strides = array<i32>} : memref<32x768xf32, #tpu.memory_space<vmem>>, vector<1x16xf32>,
      %get3A_215 = arith.index_cast %scan3A_19 : i32 to index
      %get3A_216 = arith.constant 224 : index
      %get3A_217 = tpu.vector_load %arg8[%get3A_215, %get3A_216] {strides = array<i32>} : memref<32x768xf32, #tpu.memory_space<vmem>>, vector<1x16xf32>,
      %get3A_218 = vector.shape_cast %get3A_217 : vector<1x16xf32> to vector<16xf32>
      %get3A_219 = arith.index_cast %scan3A_19 : i32 to index
      %get3A_220 = arith.constant 224 : index
      %get3A_221 = tpu.vector_load %arg9[%get3A_219, %get3A_220] {strides = array<i32>} : memref<32x768xf32, #tpu.memory_space<vmem>>, vector<1x16xf32>,
      %get3A_222 = vector.shape_cast %get3A_221 : vector<1x16xf32> to vector<16xf32>
      %add3A_223 = arith.addf %get3A_218, %get3A_222 : vector<16xf32>
      %swap3A_224 = arith.index_cast %scan3A_19 : i32 to index
      %swap3A_225 = arith.constant 224 : index
      %swap3A_226 = tpu.vector_load %arg8[%swap3A_224, %swap3A_225] {strides = array<i32>} : memref<32x768xf32, #tpu.memory_space<vmem>>, vector<1x16xf32>,
      %swap3A_227 = vector.shape_cast %swap3A_226 : vector<1x16xf32> to vector<16xf32>
      %swap3A_228 = vector.shape_cast %add3A_223 : vector<16xf32> to vector<1x16xf32>
      tpu.vector_store %arg8[%swap3A_224, %swap3A_225], %swap3A_228 {strides = array<i32>} : memref<32x768xf32, #tpu.memory_space<vmem>>, vector<1x16xf32>,
      %get3A_229 = arith.index_cast %scan3A_19 : i32 to index
      %get3A_230 = arith.constant 240 : index
      %get3A_231 = tpu.vector_load %arg8[%get3A_229, %get3A_230] {strides = array<i32>} : memref<32x768xf32, #tpu.memory_space<vmem>>, vector<1x16xf32>,
      %get3A_232 = vector.shape_cast %get3A_231 : vector<1x16xf32> to vector<16xf32>
      %get3A_233 = arith.index_cast %scan3A_19 : i32 to index
      %get3A_234 = arith.constant 240 : index
      %get3A_235 = tpu.vector_load %arg9[%get3A_233, %get3A_234] {strides = array<i32>} : memref<32x768xf32, #tpu.memory_space<vmem>>, vector<1x16xf32>,
      %get3A_236 = vector.shape_cast %get3A_235 : vector<1x16xf32> to vector<16xf32>
      %add3A_237 = arith.addf %get3A_232, %get3A_236 : vector<16xf32>
      %swap3A_238 = arith.index_cast %scan3A_19 : i32 to index
      %swap3A_239 = arith.constant 240 : index
      %swap3A_240 = tpu.vector_load %arg8[%swap3A_238, %swap3A_239] {strides = array<i32>} : memref<32x768xf32, #tpu.memory_space<vmem>>, vector<1x16xf32>,
      %swap3A_241 = vector.shape_cast %swap3A_240 : vector<1x16xf32> to vector<16xf32>
      %swap3A_242 = vector.shape_cast %add3A_237 : vector<16xf32> to vector<1x16xf32>
      tpu.vector_store %arg8[%swap3A_238, %swap3A_239], %swap3A_242 {strides = array<i32>} : memref<32x768xf32, #tpu.memory_space<vmem>>, vector<1x16xf32>,
      %get3A_243 = arith.index_cast %scan3A_19 : i32 to index
      %get3A_244 = arith.constant 256 : index
      %get3A_245 = tpu.vector_load %arg8[%get3A_243, %get3A_244] {strides = array<i32>} : memref<32x768xf32, #tpu.memory_space<vmem>>, vector<1x16xf32>,
      %get3A_246 = vector.shape_cast %get3A_245 : vector<1x16xf32> to vector<16xf32>
      %get3A_247 = arith.index_cast %scan3A_19 : i32 to index
      %get3A_248 = arith.constant 256 : index
      %get3A_249 = tpu.vector_load %arg9[%get3A_247, %get3A_248] {strides = array<i32>} : memref<32x768xf32, #tpu.memory_space<vmem>>, vector<1x16xf32>,
      %get3A_250 = vector.shape_cast %get3A_249 : vector<1x16xf32> to vector<16xf32>
      %add3A_251 = arith.addf %get3A_246, %get3A_250 : vector<16xf32>
      %swap3A_252 = arith.index_cast %scan3A_19 : i32 to index
      %swap3A_253 = arith.constant 256 : index
      %swap3A_254 = tpu.vector_load %arg8[%swap3A_252, %swap3A_253] {strides = array<i32>} : memref<32x768xf32, #tpu.memory_space<vmem>>, vector<1x16xf32>,
      %swap3A_255 = vector.shape_cast %swap3A_254 : vector<1x16xf32> to vector<16xf32>
      %swap3A_256 = vector.shape_cast %add3A_251 : vector<16xf32> to vector<1x16xf32>
      tpu.vector_store %arg8[%swap3A_252, %swap3A_253], %swap3A_256 {strides = array<i32>} : memref<32x768xf32, #tpu.memory_space<vmem>>, vector<1x16xf32>,
      %get3A_257 = arith.index_cast %scan3A_19 : i32 to index
      %get3A_258 = arith.constant 272 : index
      %get3A_259 = tpu.vector_load %arg8[%get3A_257, %get3A_258] {strides = array<i32>} : memref<32x768xf32, #tpu.memory_space<vmem>>, vector<1x16xf32>,
      %get3A_260 = vector.shape_cast %get3A_259 : vector<1x16xf32> to vector<16xf32>
      %get3A_261 = arith.index_cast %scan3A_19 : i32 to index
      %get3A_262 = arith.constant 272 : index
      %get3A_263 = tpu.vector_load %arg9[%get3A_261, %get3A_262] {strides = array<i32>} : memref<32x768xf32, #tpu.memory_space<vmem>>, vector<1x16xf32>,
      %get3A_264 = vector.shape_cast %get3A_263 : vector<1x16xf32> to vector<16xf32>
      %add3A_265 = arith.addf %get3A_260, %get3A_264 : vector<16xf32>
      %swap3A_266 = arith.index_cast %scan3A_19 : i32 to index
      %swap3A_267 = arith.constant 272 : index
      %swap3A_268 = tpu.vector_load %arg8[%swap3A_266, %swap3A_267] {strides = array<i32>} : memref<32x768xf32, #tpu.memory_space<vmem>>, vector<1x16xf32>,
      %swap3A_269 = vector.shape_cast %swap3A_268 : vector<1x16xf32> to vector<16xf32>
      %swap3A_270 = vector.shape_cast %add3A_265 : vector<16xf32> to vector<1x16xf32>
      tpu.vector_store %arg8[%swap3A_266, %swap3A_267], %swap3A_270 {strides = array<i32>} : memref<32x768xf32, #tpu.memory_space<vmem>>, vector<1x16xf32>,
      %get3A_271 = arith.index_cast %scan3A_19 : i32 to index
      %get3A_272 = arith.constant 288 : index
      %get3A_273 = tpu.vector_load %arg8[%get3A_271, %get3A_272] {strides = array<i32>} : memref<32x768xf32, #tpu.memory_space<vmem>>, vector<1x16xf32>,
      %get3A_274 = vector.shape_cast %get3A_273 : vector<1x16xf32> to vector<16xf32>
      %get3A_275 = arith.index_cast %scan3A_19 : i32 to index
      %get3A_276 = arith.constant 288 : index
      %get3A_277 = tpu.vector_load %arg9[%get3A_275, %get3A_276] {strides = array<i32>} : memref<32x768xf32, #tpu.memory_space<vmem>>, vector<1x16xf32>,
      %get3A_278 = vector.shape_cast %get3A_277 : vector<1x16xf32> to vector<16xf32>
      %add3A_279 = arith.addf %get3A_274, %get3A_278 : vector<16xf32>
      %swap3A_280 = arith.index_cast %scan3A_19 : i32 to index
      %swap3A_281 = arith.constant 288 : index
      %swap3A_282 = tpu.vector_load %arg8[%swap3A_280, %swap3A_281] {strides = array<i32>} : memref<32x768xf32, #tpu.memory_space<vmem>>, vector<1x16xf32>,
      %swap3A_283 = vector.shape_cast %swap3A_282 : vector<1x16xf32> to vector<16xf32>
      %swap3A_284 = vector.shape_cast %add3A_279 : vector<16xf32> to vector<1x16xf32>
      tpu.vector_store %arg8[%swap3A_280, %swap3A_281], %swap3A_284 {strides = array<i32>} : memref<32x768xf32, #tpu.memory_space<vmem>>, vector<1x16xf32>,
      %get3A_285 = arith.index_cast %scan3A_19 : i32 to index
      %get3A_286 = arith.constant 304 : index
      %get3A_287 = tpu.vector_load %arg8[%get3A_285, %get3A_286] {strides = array<i32>} : memref<32x768xf32, #tpu.memory_space<vmem>>, vector<1x16xf32>,
      %get3A_288 = vector.shape_cast %get3A_287 : vector<1x16xf32> to vector<16xf32>
      %get3A_289 = arith.index_cast %scan3A_19 : i32 to index
      %get3A_290 = arith.constant 304 : index
      %get3A_291 = tpu.vector_load %arg9[%get3A_289, %get3A_290] {strides = array<i32>} : memref<32x768xf32, #tpu.memory_space<vmem>>, vector<1x16xf32>,
      %get3A_292 = vector.shape_cast %get3A_291 : vector<1x16xf32> to vector<16xf32>
      %add3A_293 = arith.addf %get3A_288, %get3A_292 : vector<16xf32>
      %swap3A_294 = arith.index_cast %scan3A_19 : i32 to index
      %swap3A_295 = arith.constant 304 : index
      %swap3A_296 = tpu.vector_load %arg8[%swap3A_294, %swap3A_295] {strides = array<i32>} : memref<32x768xf32, #tpu.memory_space<vmem>>, vector<1x16xf32>,
      %swap3A_297 = vector.shape_cast %swap3A_296 : vector<1x16xf32> to vector<16xf32>
      %swap3A_298 = vector.shape_cast %add3A_293 : vector<16xf32> to vector<1x16xf32>
      tpu.vector_store %arg8[%swap3A_294, %swap3A_295], %swap3A_298 {strides = array<i32>} : memref<32x768xf32, #tpu.memory_space<vmem>>, vector<1x16xf32>,
      %get3A_299 = arith.index_cast %scan3A_19 : i32 to index
      %get3A_300 = arith.constant 320 : index
      %get3A_301 = tpu.vector_load %arg8[%get3A_299, %get3A_300] {strides = array<i32>} : memref<32x768xf32, #tpu.memory_space<vmem>>, vector<1x16xf32>,
      %get3A_302 = vector.shape_cast %get3A_301 : vector<1x16xf32> to vector<16xf32>
      %get3A_303 = arith.index_cast %scan3A_19 : i32 to index
      %get3A_304 = arith.constant 320 : index
      %get3A_305 = tpu.vector_load %arg9[%get3A_303, %get3A_304] {strides = array<i32>} : memref<32x768xf32, #tpu.memory_space<vmem>>, vector<1x16xf32>,
      %get3A_306 = vector.shape_cast %get3A_305 : vector<1x16xf32> to vector<16xf32>
      %add3A_307 = arith.addf %get3A_302, %get3A_306 : vector<16xf32>
      %swap3A_308 = arith.index_cast %scan3A_19 : i32 to index
      %swap3A_309 = arith.constant 320 : index
      %swap3A_310 = tpu.vector_load %arg8[%swap3A_308, %swap3A_309] {strides = array<i32>} : memref<32x768xf32, #tpu.memory_space<vmem>>, vector<1x16xf32>,
      %swap3A_311 = vector.shape_cast %swap3A_310 : vector<1x16xf32> to vector<16xf32>
      %swap3A_312 = vector.shape_cast %add3A_307 : vector<16xf32> to vector<1x16xf32>
      tpu.vector_store %arg8[%swap3A_308, %swap3A_309], %swap3A_312 {strides = array<i32>} : memref<32x768xf32, #tpu.memory_space<vmem>>, vector<1x16xf32>,
      %get3A_313 = arith.index_cast %scan3A_19 : i32 to index
      %get3A_314 = arith.constant 336 : index
      %get3A_315 = tpu.vector_load %arg8[%get3A_313, %get3A_314] {strides = array<i32>} : memref<32x768xf32, #tpu.memory_space<vmem>>, vector<1x16xf32>,
      %get3A_316 = vector.shape_cast %get3A_315 : vector<1x16xf32> to vector<16xf32>
      %get3A_317 = arith.index_cast %scan3A_19 : i32 to index
      %get3A_318 = arith.constant 336 : index
      %get3A_319 = tpu.vector_load %arg9[%get3A_317, %get3A_318] {strides = array<i32>} : memref<32x768xf32, #tpu.memory_space<vmem>>, vector<1x16xf32>,
      %get3A_320 = vector.shape_cast %get3A_319 : vector<1x16xf32> to vector<16xf32>
      %add3A_321 = arith.addf %get3A_316, %get3A_320 : vector<16xf32>
      %swap3A_322 = arith.index_cast %scan3A_19 : i32 to index
      %swap3A_323 = arith.constant 336 : index
      %swap3A_324 = tpu.vector_load %arg8[%swap3A_322, %swap3A_323] {strides = array<i32>} : memref<32x768xf32, #tpu.memory_space<vmem>>, vector<1x16xf32>,
      %swap3A_325 = vector.shape_cast %swap3A_324 : vector<1x16xf32> to vector<16xf32>
      %swap3A_326 = vector.shape_cast %add3A_321 : vector<16xf32> to vector<1x16xf32>
      tpu.vector_store %arg8[%swap3A_322, %swap3A_323], %swap3A_326 {strides = array<i32>} : memref<32x768xf32, #tpu.memory_space<vmem>>, vector<1x16xf32>,
      %get3A_327 = arith.index_cast %scan3A_19 : i32 to index
      %get3A_328 = arith.constant 352 : index
      %get3A_329 = tpu.vector_load %arg8[%get3A_327, %get3A_328] {strides = array<i32>} : memref<32x768xf32, #tpu.memory_space<vmem>>, vector<1x16xf32>,
      %get3A_330 = vector.shape_cast %get3A_329 : vector<1x16xf32> to vector<16xf32>
      %get3A_331 = arith.index_cast %scan3A_19 : i32 to index
      %get3A_332 = arith.constant 352 : index
      %get3A_333 = tpu.vector_load %arg9[%get3A_331, %get3A_332] {strides = array<i32>} : memref<32x768xf32, #tpu.memory_space<vmem>>, vector<1x16xf32>,
      %get3A_334 = vector.shape_cast %get3A_333 : vector<1x16xf32> to vector<16xf32>
      %add3A_335 = arith.addf %get3A_330, %get3A_334 : vector<16xf32>
      %swap3A_336 = arith.index_cast %scan3A_19 : i32 to index
      %swap3A_337 = arith.constant 352 : index
      %swap3A_338 = tpu.vector_load %arg8[%swap3A_336, %swap3A_337] {strides = array<i32>} : memref<32x768xf32, #tpu.memory_space<vmem>>, vector<1x16xf32>,
      %swap3A_339 = vector.shape_cast %swap3A_338 : vector<1x16xf32> to vector<16xf32>
      %swap3A_340 = vector.shape_cast %add3A_335 : vector<16xf32> to vector<1x16xf32>
      tpu.vector_store %arg8[%swap3A_336, %swap3A_337], %swap3A_340 {strides = array<i32>} : memref<32x768xf32, #tpu.memory_space<vmem>>, vector<1x16xf32>,
      %get3A_341 = arith.index_cast %scan3A_19 : i32 to index
      %get3A_342 = arith.constant 368 : index
      %get3A_343 = tpu.vector_load %arg8[%get3A_341, %get3A_342] {strides = array<i32>} : memref<32x768xf32, #tpu.memory_space<vmem>>, vector<1x16xf32>,
      %get3A_344 = vector.shape_cast %get3A_343 : vector<1x16xf32> to vector<16xf32>
      %get3A_345 = arith.index_cast %scan3A_19 : i32 to index
      %get3A_346 = arith.constant 368 : index
      %get3A_347 = tpu.vector_load %arg9[%get3A_345, %get3A_346] {strides = array<i32>} : memref<32x768xf32, #tpu.memory_space<vmem>>, vector<1x16xf32>,
      %get3A_348 = vector.shape_cast %get3A_347 : vector<1x16xf32> to vector<16xf32>
      %add3A_349 = arith.addf %get3A_344, %get3A_348 : vector<16xf32>
      %swap3A_350 = arith.index_cast %scan3A_19 : i32 to index
      %swap3A_351 = arith.constant 368 : index
      %swap3A_352 = tpu.vector_load %arg8[%swap3A_350, %swap3A_351] {strides = array<i32>} : memref<32x768xf32, #tpu.memory_space<vmem>>, vector<1x16xf32>,
      %swap3A_353 = vector.shape_cast %swap3A_352 : vector<1x16xf32> to vector<16xf32>
      %swap3A_354 = vector.shape_cast %add3A_349 : vector<16xf32> to vector<1x16xf32>
      tpu.vector_store %arg8[%swap3A_350, %swap3A_351], %swap3A_354 {strides = array<i32>} : memref<32x768xf32, #tpu.memory_space<vmem>>, vector<1x16xf32>,
      %get3A_355 = arith.index_cast %scan3A_19 : i32 to index
      %get3A_356 = arith.constant 384 : index
      %get3A_357 = tpu.vector_load %arg8[%get3A_355, %get3A_356] {strides = array<i32>} : memref<32x768xf32, #tpu.memory_space<vmem>>, vector<1x16xf32>,
      %get3A_358 = vector.shape_cast %get3A_357 : vector<1x16xf32> to vector<16xf32>
      %get3A_359 = arith.index_cast %scan3A_19 : i32 to index
      %get3A_360 = arith.constant 384 : index
      %get3A_361 = tpu.vector_load %arg9[%get3A_359, %get3A_360] {strides = array<i32>} : memref<32x768xf32, #tpu.memory_space<vmem>>, vector<1x16xf32>,
      %get3A_362 = vector.shape_cast %get3A_361 : vector<1x16xf32> to vector<16xf32>
      %add3A_363 = arith.addf %get3A_358, %get3A_362 : vector<16xf32>
      %swap3A_364 = arith.index_cast %scan3A_19 : i32 to index
      %swap3A_365 = arith.constant 384 : index
      %swap3A_366 = tpu.vector_load %arg8[%swap3A_364, %swap3A_365] {strides = array<i32>} : memref<32x768xf32, #tpu.memory_space<vmem>>, vector<1x16xf32>,
      %swap3A_367 = vector.shape_cast %swap3A_366 : vector<1x16xf32> to vector<16xf32>
      %swap3A_368 = vector.shape_cast %add3A_363 : vector<16xf32> to vector<1x16xf32>
      tpu.vector_store %arg8[%swap3A_364, %swap3A_365], %swap3A_368 {strides = array<i32>} : memref<32x768xf32, #tpu.memory_space<vmem>>, vector<1x16xf32>,
      %get3A_369 = arith.index_cast %scan3A_19 : i32 to index
      %get3A_370 = arith.constant 400 : index
      %get3A_371 = tpu.vector_load %arg8[%get3A_369, %get3A_370] {strides = array<i32>} : memref<32x768xf32, #tpu.memory_space<vmem>>, vector<1x16xf32>,
      %get3A_372 = vector.shape_cast %get3A_371 : vector<1x16xf32> to vector<16xf32>
      %get3A_373 = arith.index_cast %scan3A_19 : i32 to index
      %get3A_374 = arith.constant 400 : index
      %get3A_375 = tpu.vector_load %arg9[%get3A_373, %get3A_374] {strides = array<i32>} : memref<32x768xf32, #tpu.memory_space<vmem>>, vector<1x16xf32>,
      %get3A_376 = vector.shape_cast %get3A_375 : vector<1x16xf32> to vector<16xf32>
      %add3A_377 = arith.addf %get3A_372, %get3A_376 : vector<16xf32>
      %swap3A_378 = arith.index_cast %scan3A_19 : i32 to index
      %swap3A_379 = arith.constant 400 : index
      %swap3A_380 = tpu.vector_load %arg8[%swap3A_378, %swap3A_379] {strides = array<i32>} : memref<32x768xf32, #tpu.memory_space<vmem>>, vector<1x16xf32>,
      %swap3A_381 = vector.shape_cast %swap3A_380 : vector<1x16xf32> to vector<16xf32>
      %swap3A_382 = vector.shape_cast %add3A_377 : vector<16xf32> to vector<1x16xf32>
      tpu.vector_store %arg8[%swap3A_378, %swap3A_379], %swap3A_382 {strides = array<i32>} : memref<32x768xf32, #tpu.memory_space<vmem>>, vector<1x16xf32>,
      %get3A_383 = arith.index_cast %scan3A_19 : i32 to index
      %get3A_384 = arith.constant 416 : index
      %get3A_385 = tpu.vector_load %arg8[%get3A_383, %get3A_384] {strides = array<i32>} : memref<32x768xf32, #tpu.memory_space<vmem>>, vector<1x16xf32>,
      %get3A_386 = vector.shape_cast %get3A_385 : vector<1x16xf32> to vector<16xf32>
      %get3A_387 = arith.index_cast %scan3A_19 : i32 to index
      %get3A_388 = arith.constant 416 : index
      %get3A_389 = tpu.vector_load %arg9[%get3A_387, %get3A_388] {strides = array<i32>} : memref<32x768xf32, #tpu.memory_space<vmem>>, vector<1x16xf32>,
      %get3A_390 = vector.shape_cast %get3A_389 : vector<1x16xf32> to vector<16xf32>
      %add3A_391 = arith.addf %get3A_386, %get3A_390 : vector<16xf32>
      %swap3A_392 = arith.index_cast %scan3A_19 : i32 to index
      %swap3A_393 = arith.constant 416 : index
      %swap3A_394 = tpu.vector_load %arg8[%swap3A_392, %swap3A_393] {strides = array<i32>} : memref<32x768xf32, #tpu.memory_space<vmem>>, vector<1x16xf32>,
      %swap3A_395 = vector.shape_cast %swap3A_394 : vector<1x16xf32> to vector<16xf32>
      %swap3A_396 = vector.shape_cast %add3A_391 : vector<16xf32> to vector<1x16xf32>
      tpu.vector_store %arg8[%swap3A_392, %swap3A_393], %swap3A_396 {strides = array<i32>} : memref<32x768xf32, #tpu.memory_space<vmem>>, vector<1x16xf32>,
      %get3A_397 = arith.index_cast %scan3A_19 : i32 to index
      %get3A_398 = arith.constant 432 : index
      %get3A_399 = tpu.vector_load %arg8[%get3A_397, %get3A_398] {strides = array<i32>} : memref<32x768xf32, #tpu.memory_space<vmem>>, vector<1x16xf32>,
      %get3A_400 = vector.shape_cast %get3A_399 : vector<1x16xf32> to vector<16xf32>
      %get3A_401 = arith.index_cast %scan3A_19 : i32 to index
      %get3A_402 = arith.constant 432 : index
      %get3A_403 = tpu.vector_load %arg9[%get3A_401, %get3A_402] {strides = array<i32>} : memref<32x768xf32, #tpu.memory_space<vmem>>, vector<1x16xf32>,
      %get3A_404 = vector.shape_cast %get3A_403 : vector<1x16xf32> to vector<16xf32>
      %add3A_405 = arith.addf %get3A_400, %get3A_404 : vector<16xf32>
      %swap3A_406 = arith.index_cast %scan3A_19 : i32 to index
      %swap3A_407 = arith.constant 432 : index
      %swap3A_408 = tpu.vector_load %arg8[%swap3A_406, %swap3A_407] {strides = array<i32>} : memref<32x768xf32, #tpu.memory_space<vmem>>, vector<1x16xf32>,
      %swap3A_409 = vector.shape_cast %swap3A_408 : vector<1x16xf32> to vector<16xf32>
      %swap3A_410 = vector.shape_cast %add3A_405 : vector<16xf32> to vector<1x16xf32>
      tpu.vector_store %arg8[%swap3A_406, %swap3A_407], %swap3A_410 {strides = array<i32>} : memref<32x768xf32, #tpu.memory_space<vmem>>, vector<1x16xf32>,
      %get3A_411 = arith.index_cast %scan3A_19 : i32 to index
      %get3A_412 = arith.constant 448 : index
      %get3A_413 = tpu.vector_load %arg8[%get3A_411, %get3A_412] {strides = array<i32>} : memref<32x768xf32, #tpu.memory_space<vmem>>, vector<1x16xf32>,
      %get3A_414 = vector.shape_cast %get3A_413 : vector<1x16xf32> to vector<16xf32>
      %get3A_415 = arith.index_cast %scan3A_19 : i32 to index
      %get3A_416 = arith.constant 448 : index
      %get3A_417 = tpu.vector_load %arg9[%get3A_415, %get3A_416] {strides = array<i32>} : memref<32x768xf32, #tpu.memory_space<vmem>>, vector<1x16xf32>,
      %get3A_418 = vector.shape_cast %get3A_417 : vector<1x16xf32> to vector<16xf32>
      %add3A_419 = arith.addf %get3A_414, %get3A_418 : vector<16xf32>
      %swap3A_420 = arith.index_cast %scan3A_19 : i32 to index
      %swap3A_421 = arith.constant 448 : index
      %swap3A_422 = tpu.vector_load %arg8[%swap3A_420, %swap3A_421] {strides = array<i32>} : memref<32x768xf32, #tpu.memory_space<vmem>>, vector<1x16xf32>,
      %swap3A_423 = vector.shape_cast %swap3A_422 : vector<1x16xf32> to vector<16xf32>
      %swap3A_424 = vector.shape_cast %add3A_419 : vector<16xf32> to vector<1x16xf32>
      tpu.vector_store %arg8[%swap3A_420, %swap3A_421], %swap3A_424 {strides = array<i32>} : memref<32x768xf32, #tpu.memory_space<vmem>>, vector<1x16xf32>,
      %get3A_425 = arith.index_cast %scan3A_19 : i32 to index
      %get3A_426 = arith.constant 464 : index
      %get3A_427 = tpu.vector_load %arg8[%get3A_425, %get3A_426] {strides = array<i32>} : memref<32x768xf32, #tpu.memory_space<vmem>>, vector<1x16xf32>,
      %get3A_428 = vector.shape_cast %get3A_427 : vector<1x16xf32> to vector<16xf32>
      %get3A_429 = arith.index_cast %scan3A_19 : i32 to index
      %get3A_430 = arith.constant 464 : index
      %get3A_431 = tpu.vector_load %arg9[%get3A_429, %get3A_430] {strides = array<i32>} : memref<32x768xf32, #tpu.memory_space<vmem>>, vector<1x16xf32>,
      %get3A_432 = vector.shape_cast %get3A_431 : vector<1x16xf32> to vector<16xf32>
      %add3A_433 = arith.addf %get3A_428, %get3A_432 : vector<16xf32>
      %swap3A_434 = arith.index_cast %scan3A_19 : i32 to index
      %swap3A_435 = arith.constant 464 : index
      %swap3A_436 = tpu.vector_load %arg8[%swap3A_434, %swap3A_435] {strides = array<i32>} : memref<32x768xf32, #tpu.memory_space<vmem>>, vector<1x16xf32>,
      %swap3A_437 = vector.shape_cast %swap3A_436 : vector<1x16xf32> to vector<16xf32>
      %swap3A_438 = vector.shape_cast %add3A_433 : vector<16xf32> to vector<1x16xf32>
      tpu.vector_store %arg8[%swap3A_434, %swap3A_435], %swap3A_438 {strides = array<i32>} : memref<32x768xf32, #tpu.memory_space<vmem>>, vector<1x16xf32>,
      %get3A_439 = arith.index_cast %scan3A_19 : i32 to index
      %get3A_440 = arith.constant 480 : index
      %get3A_441 = tpu.vector_load %arg8[%get3A_439, %get3A_440] {strides = array<i32>} : memref<32x768xf32, #tpu.memory_space<vmem>>, vector<1x16xf32>,
      %get3A_442 = vector.shape_cast %get3A_441 : vector<1x16xf32> to vector<16xf32>
      %get3A_443 = arith.index_cast %scan3A_19 : i32 to index
      %get3A_444 = arith.constant 480 : index
      %get3A_445 = tpu.vector_load %arg9[%get3A_443, %get3A_444] {strides = array<i32>} : memref<32x768xf32, #tpu.memory_space<vmem>>, vector<1x16xf32>,
      %get3A_446 = vector.shape_cast %get3A_445 : vector<1x16xf32> to vector<16xf32>
      %add3A_447 = arith.addf %get3A_442, %get3A_446 : vector<16xf32>
      %swap3A_448 = arith.index_cast %scan3A_19 : i32 to index
      %swap3A_449 = arith.constant 480 : index
      %swap3A_450 = tpu.vector_load %arg8[%swap3A_448, %swap3A_449] {strides = array<i32>} : memref<32x768xf32, #tpu.memory_space<vmem>>, vector<1x16xf32>,
      %swap3A_451 = vector.shape_cast %swap3A_450 : vector<1x16xf32> to vector<16xf32>
      %swap3A_452 = vector.shape_cast %add3A_447 : vector<16xf32> to vector<1x16xf32>
      tpu.vector_store %arg8[%swap3A_448, %swap3A_449], %swap3A_452 {strides = array<i32>} : memref<32x768xf32, #tpu.memory_space<vmem>>, vector<1x16xf32>,
      %get3A_453 = arith.index_cast %scan3A_19 : i32 to index
      %get3A_454 = arith.constant 496 : index
      %get3A_455 = tpu.vector_load %arg8[%get3A_453, %get3A_454] {strides = array<i32>} : memref<32x768xf32, #tpu.memory_space<vmem>>, vector<1x16xf32>,
      %get3A_456 = vector.shape_cast %get3A_455 : vector<1x16xf32> to vector<16xf32>
      %get3A_457 = arith.index_cast %scan3A_19 : i32 to index
      %get3A_458 = arith.constant 496 : index
      %get3A_459 = tpu.vector_load %arg9[%get3A_457, %get3A_458] {strides = array<i32>} : memref<32x768xf32, #tpu.memory_space<vmem>>, vector<1x16xf32>,
      %get3A_460 = vector.shape_cast %get3A_459 : vector<1x16xf32> to vector<16xf32>
      %add3A_461 = arith.addf %get3A_456, %get3A_460 : vector<16xf32>
      %swap3A_462 = arith.index_cast %scan3A_19 : i32 to index
      %swap3A_463 = arith.constant 496 : index
      %swap3A_464 = tpu.vector_load %arg8[%swap3A_462, %swap3A_463] {strides = array<i32>} : memref<32x768xf32, #tpu.memory_space<vmem>>, vector<1x16xf32>,
      %swap3A_465 = vector.shape_cast %swap3A_464 : vector<1x16xf32> to vector<16xf32>
      %swap3A_466 = vector.shape_cast %add3A_461 : vector<16xf32> to vector<1x16xf32>
      tpu.vector_store %arg8[%swap3A_462, %swap3A_463], %swap3A_466 {strides = array<i32>} : memref<32x768xf32, #tpu.memory_space<vmem>>, vector<1x16xf32>,
      %get3A_467 = arith.index_cast %scan3A_19 : i32 to index
      %get3A_468 = arith.constant 512 : index
      %get3A_469 = tpu.vector_load %arg8[%get3A_467, %get3A_468] {strides = array<i32>} : memref<32x768xf32, #tpu.memory_space<vmem>>, vector<1x16xf32>,
      %get3A_470 = vector.shape_cast %get3A_469 : vector<1x16xf32> to vector<16xf32>
      %get3A_471 = arith.index_cast %scan3A_19 : i32 to index
      %get3A_472 = arith.constant 512 : index
      %get3A_473 = tpu.vector_load %arg9[%get3A_471, %get3A_472] {strides = array<i32>} : memref<32x768xf32, #tpu.memory_space<vmem>>, vector<1x16xf32>,
      %get3A_474 = vector.shape_cast %get3A_473 : vector<1x16xf32> to vector<16xf32>
      %add3A_475 = arith.addf %get3A_470, %get3A_474 : vector<16xf32>
      %swap3A_476 = arith.index_cast %scan3A_19 : i32 to index
      %swap3A_477 = arith.constant 512 : index
      %swap3A_478 = tpu.vector_load %arg8[%swap3A_476, %swap3A_477] {strides = array<i32>} : memref<32x768xf32, #tpu.memory_space<vmem>>, vector<1x16xf32>,
      %swap3A_479 = vector.shape_cast %swap3A_478 : vector<1x16xf32> to vector<16xf32>
      %swap3A_480 = vector.shape_cast %add3A_475 : vector<16xf32> to vector<1x16xf32>
      tpu.vector_store %arg8[%swap3A_476, %swap3A_477], %swap3A_480 {strides = array<i32>} : memref<32x768xf32, #tpu.memory_space<vmem>>, vector<1x16xf32>,
      %get3A_481 = arith.index_cast %scan3A_19 : i32 to index
      %get3A_482 = arith.constant 528 : index
      %get3A_483 = tpu.vector_load %arg8[%get3A_481, %get3A_482] {strides = array<i32>} : memref<32x768xf32, #tpu.memory_space<vmem>>, vector<1x16xf32>,
      %get3A_484 = vector.shape_cast %get3A_483 : vector<1x16xf32> to vector<16xf32>
      %get3A_485 = arith.index_cast %scan3A_19 : i32 to index
      %get3A_486 = arith.constant 528 : index
      %get3A_487 = tpu.vector_load %arg9[%get3A_485, %get3A_486] {strides = array<i32>} : memref<32x768xf32, #tpu.memory_space<vmem>>, vector<1x16xf32>,
      %get3A_488 = vector.shape_cast %get3A_487 : vector<1x16xf32> to vector<16xf32>
      %add3A_489 = arith.addf %get3A_484, %get3A_488 : vector<16xf32>
      %swap3A_490 = arith.index_cast %scan3A_19 : i32 to index
      %swap3A_491 = arith.constant 528 : index
      %swap3A_492 = tpu.vector_load %arg8[%swap3A_490, %swap3A_491] {strides = array<i32>} : memref<32x768xf32, #tpu.memory_space<vmem>>, vector<1x16xf32>,
      %swap3A_493 = vector.shape_cast %swap3A_492 : vector<1x16xf32> to vector<16xf32>
      %swap3A_494 = vector.shape_cast %add3A_489 : vector<16xf32> to vector<1x16xf32>
      tpu.vector_store %arg8[%swap3A_490, %swap3A_491], %swap3A_494 {strides = array<i32>} : memref<32x768xf32, #tpu.memory_space<vmem>>, vector<1x16xf32>,
      %get3A_495 = arith.index_cast %scan3A_19 : i32 to index
      %get3A_496 = arith.constant 544 : index
      %get3A_497 = tpu.vector_load %arg8[%get3A_495, %get3A_496] {strides = array<i32>} : memref<32x768xf32, #tpu.memory_space<vmem>>, vector<1x16xf32>,
      %get3A_498 = vector.shape_cast %get3A_497 : vector<1x16xf32> to vector<16xf32>
      %get3A_499 = arith.index_cast %scan3A_19 : i32 to index
      %get3A_500 = arith.constant 544 : index
      %get3A_501 = tpu.vector_load %arg9[%get3A_499, %get3A_500] {strides = array<i32>} : memref<32x768xf32, #tpu.memory_space<vmem>>, vector<1x16xf32>,
      %get3A_502 = vector.shape_cast %get3A_501 : vector<1x16xf32> to vector<16xf32>
      %add3A_503 = arith.addf %get3A_498, %get3A_502 : vector<16xf32>
      %swap3A_504 = arith.index_cast %scan3A_19 : i32 to index
      %swap3A_505 = arith.constant 544 : index
      %swap3A_506 = tpu.vector_load %arg8[%swap3A_504, %swap3A_505] {strides = array<i32>} : memref<32x768xf32, #tpu.memory_space<vmem>>, vector<1x16xf32>,
      %swap3A_507 = vector.shape_cast %swap3A_506 : vector<1x16xf32> to vector<16xf32>
      %swap3A_508 = vector.shape_cast %add3A_503 : vector<16xf32> to vector<1x16xf32>
      tpu.vector_store %arg8[%swap3A_504, %swap3A_505], %swap3A_508 {strides = array<i32>} : memref<32x768xf32, #tpu.memory_space<vmem>>, vector<1x16xf32>,
      %get3A_509 = arith.index_cast %scan3A_19 : i32 to index
      %get3A_510 = arith.constant 560 : index
      %get3A_511 = tpu.vector_load %arg8[%get3A_509, %get3A_510] {strides = array<i32>} : memref<32x768xf32, #tpu.memory_space<vmem>>, vector<1x16xf32>,
      %get3A_512 = vector.shape_cast %get3A_511 : vector<1x16xf32> to vector<16xf32>
      %get3A_513 = arith.index_cast %scan3A_19 : i32 to index
      %get3A_514 = arith.constant 560 : index
      %get3A_515 = tpu.vector_load %arg9[%get3A_513, %get3A_514] {strides = array<i32>} : memref<32x768xf32, #tpu.memory_space<vmem>>, vector<1x16xf32>,
      %get3A_516 = vector.shape_cast %get3A_515 : vector<1x16xf32> to vector<16xf32>
      %add3A_517 = arith.addf %get3A_512, %get3A_516 : vector<16xf32>
      %swap3A_518 = arith.index_cast %scan3A_19 : i32 to index
      %swap3A_519 = arith.constant 560 : index
      %swap3A_520 = tpu.vector_load %arg8[%swap3A_518, %swap3A_519] {strides = array<i32>} : memref<32x768xf32, #tpu.memory_space<vmem>>, vector<1x16xf32>,
      %swap3A_521 = vector.shape_cast %swap3A_520 : vector<1x16xf32> to vector<16xf32>
      %swap3A_522 = vector.shape_cast %add3A_517 : vector<16xf32> to vector<1x16xf32>
      tpu.vector_store %arg8[%swap3A_518, %swap3A_519], %swap3A_522 {strides = array<i32>} : memref<32x768xf32, #tpu.memory_space<vmem>>, vector<1x16xf32>,
      %get3A_523 = arith.index_cast %scan3A_19 : i32 to index
      %get3A_524 = arith.constant 576 : index
      %get3A_525 = tpu.vector_load %arg8[%get3A_523, %get3A_524] {strides = array<i32>} : memref<32x768xf32, #tpu.memory_space<vmem>>, vector<1x16xf32>,
      %get3A_526 = vector.shape_cast %get3A_525 : vector<1x16xf32> to vector<16xf32>
      %get3A_527 = arith.index_cast %scan3A_19 : i32 to index
      %get3A_528 = arith.constant 576 : index
      %get3A_529 = tpu.vector_load %arg9[%get3A_527, %get3A_528] {strides = array<i32>} : memref<32x768xf32, #tpu.memory_space<vmem>>, vector<1x16xf32>,
      %get3A_530 = vector.shape_cast %get3A_529 : vector<1x16xf32> to vector<16xf32>
      %add3A_531 = arith.addf %get3A_526, %get3A_530 : vector<16xf32>
      %swap3A_532 = arith.index_cast %scan3A_19 : i32 to index
      %swap3A_533 = arith.constant 576 : index
      %swap3A_534 = tpu.vector_load %arg8[%swap3A_532, %swap3A_533] {strides = array<i32>} : memref<32x768xf32, #tpu.memory_space<vmem>>, vector<1x16xf32>,
      %swap3A_535 = vector.shape_cast %swap3A_534 : vector<1x16xf32> to vector<16xf32>
      %swap3A_536 = vector.shape_cast %add3A_531 : vector<16xf32> to vector<1x16xf32>
      tpu.vector_store %arg8[%swap3A_532, %swap3A_533], %swap3A_536 {strides = array<i32>} : memref<32x768xf32, #tpu.memory_space<vmem>>, vector<1x16xf32>,
      %get3A_537 = arith.index_cast %scan3A_19 : i32 to index
      %get3A_538 = arith.constant 592 : index
      %get3A_539 = tpu.vector_load %arg8[%get3A_537, %get3A_538] {strides = array<i32>} : memref<32x768xf32, #tpu.memory_space<vmem>>, vector<1x16xf32>,
      %get3A_540 = vector.shape_cast %get3A_539 : vector<1x16xf32> to vector<16xf32>
      %get3A_541 = arith.index_cast %scan3A_19 : i32 to index
      %get3A_542 = arith.constant 592 : index
      %get3A_543 = tpu.vector_load %arg9[%get3A_541, %get3A_542] {strides = array<i32>} : memref<32x768xf32, #tpu.memory_space<vmem>>, vector<1x16xf32>,
      %get3A_544 = vector.shape_cast %get3A_543 : vector<1x16xf32> to vector<16xf32>
      %add3A_545 = arith.addf %get3A_540, %get3A_544 : vector<16xf32>
      %swap3A_546 = arith.index_cast %scan3A_19 : i32 to index
      %swap3A_547 = arith.constant 592 : index
      %swap3A_548 = tpu.vector_load %arg8[%swap3A_546, %swap3A_547] {strides = array<i32>} : memref<32x768xf32, #tpu.memory_space<vmem>>, vector<1x16xf32>,
      %swap3A_549 = vector.shape_cast %swap3A_548 : vector<1x16xf32> to vector<16xf32>
      %swap3A_550 = vector.shape_cast %add3A_545 : vector<16xf32> to vector<1x16xf32>
      tpu.vector_store %arg8[%swap3A_546, %swap3A_547], %swap3A_550 {strides = array<i32>} : memref<32x768xf32, #tpu.memory_space<vmem>>, vector<1x16xf32>,
      %get3A_551 = arith.index_cast %scan3A_19 : i32 to index
      %get3A_552 = arith.constant 608 : index
      %get3A_553 = tpu.vector_load %arg8[%get3A_551, %get3A_552] {strides = array<i32>} : memref<32x768xf32, #tpu.memory_space<vmem>>, vector<1x16xf32>,
      %get3A_554 = vector.shape_cast %get3A_553 : vector<1x16xf32> to vector<16xf32>
      %get3A_555 = arith.index_cast %scan3A_19 : i32 to index
      %get3A_556 = arith.constant 608 : index
      %get3A_557 = tpu.vector_load %arg9[%get3A_555, %get3A_556] {strides = array<i32>} : memref<32x768xf32, #tpu.memory_space<vmem>>, vector<1x16xf32>,
      %get3A_558 = vector.shape_cast %get3A_557 : vector<1x16xf32> to vector<16xf32>
      %add3A_559 = arith.addf %get3A_554, %get3A_558 : vector<16xf32>
      %swap3A_560 = arith.index_cast %scan3A_19 : i32 to index
      %swap3A_561 = arith.constant 608 : index
      %swap3A_562 = tpu.vector_load %arg8[%swap3A_560, %swap3A_561] {strides = array<i32>} : memref<32x768xf32, #tpu.memory_space<vmem>>, vector<1x16xf32>,
      %swap3A_563 = vector.shape_cast %swap3A_562 : vector<1x16xf32> to vector<16xf32>
      %swap3A_564 = vector.shape_cast %add3A_559 : vector<16xf32> to vector<1x16xf32>
      tpu.vector_store %arg8[%swap3A_560, %swap3A_561], %swap3A_564 {strides = array<i32>} : memref<32x768xf32, #tpu.memory_space<vmem>>, vector<1x16xf32>,
      %get3A_565 = arith.index_cast %scan3A_19 : i32 to index
      %get3A_566 = arith.constant 624 : index
      %get3A_567 = tpu.vector_load %arg8[%get3A_565, %get3A_566] {strides = array<i32>} : memref<32x768xf32, #tpu.memory_space<vmem>>, vector<1x16xf32>,
      %get3A_568 = vector.shape_cast %get3A_567 : vector<1x16xf32> to vector<16xf32>
      %get3A_569 = arith.index_cast %scan3A_19 : i32 to index
      %get3A_570 = arith.constant 624 : index
      %get3A_571 = tpu.vector_load %arg9[%get3A_569, %get3A_570] {strides = array<i32>} : memref<32x768xf32, #tpu.memory_space<vmem>>, vector<1x16xf32>,
      %get3A_572 = vector.shape_cast %get3A_571 : vector<1x16xf32> to vector<16xf32>
      %add3A_573 = arith.addf %get3A_568, %get3A_572 : vector<16xf32>
      %swap3A_574 = arith.index_cast %scan3A_19 : i32 to index
      %swap3A_575 = arith.constant 624 : index
      %swap3A_576 = tpu.vector_load %arg8[%swap3A_574, %swap3A_575] {strides = array<i32>} : memref<32x768xf32, #tpu.memory_space<vmem>>, vector<1x16xf32>,
      %swap3A_577 = vector.shape_cast %swap3A_576 : vector<1x16xf32> to vector<16xf32>
      %swap3A_578 = vector.shape_cast %add3A_573 : vector<16xf32> to vector<1x16xf32>
      tpu.vector_store %arg8[%swap3A_574, %swap3A_575], %swap3A_578 {strides = array<i32>} : memref<32x768xf32, #tpu.memory_space<vmem>>, vector<1x16xf32>,
      %get3A_579 = arith.index_cast %scan3A_19 : i32 to index
      %get3A_580 = arith.constant 640 : index
      %get3A_581 = tpu.vector_load %arg8[%get3A_579, %get3A_580] {strides = array<i32>} : memref<32x768xf32, #tpu.memory_space<vmem>>, vector<1x16xf32>,
      %get3A_582 = vector.shape_cast %get3A_581 : vector<1x16xf32> to vector<16xf32>
      %get3A_583 = arith.index_cast %scan3A_19 : i32 to index
      %get3A_584 = arith.constant 640 : index
      %get3A_585 = tpu.vector_load %arg9[%get3A_583, %get3A_584] {strides = array<i32>} : memref<32x768xf32, #tpu.memory_space<vmem>>, vector<1x16xf32>,
      %get3A_586 = vector.shape_cast %get3A_585 : vector<1x16xf32> to vector<16xf32>
      %add3A_587 = arith.addf %get3A_582, %get3A_586 : vector<16xf32>
      %swap3A_588 = arith.index_cast %scan3A_19 : i32 to index
      %swap3A_589 = arith.constant 640 : index
      %swap3A_590 = tpu.vector_load %arg8[%swap3A_588, %swap3A_589] {strides = array<i32>} : memref<32x768xf32, #tpu.memory_space<vmem>>, vector<1x16xf32>,
      %swap3A_591 = vector.shape_cast %swap3A_590 : vector<1x16xf32> to vector<16xf32>
      %swap3A_592 = vector.shape_cast %add3A_587 : vector<16xf32> to vector<1x16xf32>
      tpu.vector_store %arg8[%swap3A_588, %swap3A_589], %swap3A_592 {strides = array<i32>} : memref<32x768xf32, #tpu.memory_space<vmem>>, vector<1x16xf32>,
      %get3A_593 = arith.index_cast %scan3A_19 : i32 to index
      %get3A_594 = arith.constant 656 : index
      %get3A_595 = tpu.vector_load %arg8[%get3A_593, %get3A_594] {strides = array<i32>} : memref<32x768xf32, #tpu.memory_space<vmem>>, vector<1x16xf32>,
      %get3A_596 = vector.shape_cast %get3A_595 : vector<1x16xf32> to vector<16xf32>
      %get3A_597 = arith.index_cast %scan3A_19 : i32 to index
      %get3A_598 = arith.constant 656 : index
      %get3A_599 = tpu.vector_load %arg9[%get3A_597, %get3A_598] {strides = array<i32>} : memref<32x768xf32, #tpu.memory_space<vmem>>, vector<1x16xf32>,
      %get3A_600 = vector.shape_cast %get3A_599 : vector<1x16xf32> to vector<16xf32>
      %add3A_601 = arith.addf %get3A_596, %get3A_600 : vector<16xf32>
      %swap3A_602 = arith.index_cast %scan3A_19 : i32 to index
      %swap3A_603 = arith.constant 656 : index
      %swap3A_604 = tpu.vector_load %arg8[%swap3A_602, %swap3A_603] {strides = array<i32>} : memref<32x768xf32, #tpu.memory_space<vmem>>, vector<1x16xf32>,
      %swap3A_605 = vector.shape_cast %swap3A_604 : vector<1x16xf32> to vector<16xf32>
      %swap3A_606 = vector.shape_cast %add3A_601 : vector<16xf32> to vector<1x16xf32>
      tpu.vector_store %arg8[%swap3A_602, %swap3A_603], %swap3A_606 {strides = array<i32>} : memref<32x768xf32, #tpu.memory_space<vmem>>, vector<1x16xf32>,
      %get3A_607 = arith.index_cast %scan3A_19 : i32 to index
      %get3A_608 = arith.constant 672 : index
      %get3A_609 = tpu.vector_load %arg8[%get3A_607, %get3A_608] {strides = array<i32>} : memref<32x768xf32, #tpu.memory_space<vmem>>, vector<1x16xf32>,
      %get3A_610 = vector.shape_cast %get3A_609 : vector<1x16xf32> to vector<16xf32>
      %get3A_611 = arith.index_cast %scan3A_19 : i32 to index
      %get3A_612 = arith.constant 672 : index
      %get3A_613 = tpu.vector_load %arg9[%get3A_611, %get3A_612] {strides = array<i32>} : memref<32x768xf32, #tpu.memory_space<vmem>>, vector<1x16xf32>,
      %get3A_614 = vector.shape_cast %get3A_613 : vector<1x16xf32> to vector<16xf32>
      %add3A_615 = arith.addf %get3A_610, %get3A_614 : vector<16xf32>
      %swap3A_616 = arith.index_cast %scan3A_19 : i32 to index
      %swap3A_617 = arith.constant 672 : index
      %swap3A_618 = tpu.vector_load %arg8[%swap3A_616, %swap3A_617] {strides = array<i32>} : memref<32x768xf32, #tpu.memory_space<vmem>>, vector<1x16xf32>,
      %swap3A_619 = vector.shape_cast %swap3A_618 : vector<1x16xf32> to vector<16xf32>
      %swap3A_620 = vector.shape_cast %add3A_615 : vector<16xf32> to vector<1x16xf32>
      tpu.vector_store %arg8[%swap3A_616, %swap3A_617], %swap3A_620 {strides = array<i32>} : memref<32x768xf32, #tpu.memory_space<vmem>>, vector<1x16xf32>,
      %get3A_621 = arith.index_cast %scan3A_19 : i32 to index
      %get3A_622 = arith.constant 688 : index
      %get3A_623 = tpu.vector_load %arg8[%get3A_621, %get3A_622] {strides = array<i32>} : memref<32x768xf32, #tpu.memory_space<vmem>>, vector<1x16xf32>,
      %get3A_624 = vector.shape_cast %get3A_623 : vector<1x16xf32> to vector<16xf32>
      %get3A_625 = arith.index_cast %scan3A_19 : i32 to index
      %get3A_626 = arith.constant 688 : index
      %get3A_627 = tpu.vector_load %arg9[%get3A_625, %get3A_626] {strides = array<i32>} : memref<32x768xf32, #tpu.memory_space<vmem>>, vector<1x16xf32>,
      %get3A_628 = vector.shape_cast %get3A_627 : vector<1x16xf32> to vector<16xf32>
      %add3A_629 = arith.addf %get3A_624, %get3A_628 : vector<16xf32>
      %swap3A_630 = arith.index_cast %scan3A_19 : i32 to index
      %swap3A_631 = arith.constant 688 : index
      %swap3A_632 = tpu.vector_load %arg8[%swap3A_630, %swap3A_631] {strides = array<i32>} : memref<32x768xf32, #tpu.memory_space<vmem>>, vector<1x16xf32>,
      %swap3A_633 = vector.shape_cast %swap3A_632 : vector<1x16xf32> to vector<16xf32>
      %swap3A_634 = vector.shape_cast %add3A_629 : vector<16xf32> to vector<1x16xf32>
      tpu.vector_store %arg8[%swap3A_630, %swap3A_631], %swap3A_634 {strides = array<i32>} : memref<32x768xf32, #tpu.memory_space<vmem>>, vector<1x16xf32>,
      %get3A_635 = arith.index_cast %scan3A_19 : i32 to index
      %get3A_636 = arith.constant 704 : index
      %get3A_637 = tpu.vector_load %arg8[%get3A_635, %get3A_636] {strides = array<i32>} : memref<32x768xf32, #tpu.memory_space<vmem>>, vector<1x16xf32>,
      %get3A_638 = vector.shape_cast %get3A_637 : vector<1x16xf32> to vector<16xf32>
      %get3A_639 = arith.index_cast %scan3A_19 : i32 to index
      %get3A_640 = arith.constant 704 : index
      %get3A_641 = tpu.vector_load %arg9[%get3A_639, %get3A_640] {strides = array<i32>} : memref<32x768xf32, #tpu.memory_space<vmem>>, vector<1x16xf32>,
      %get3A_642 = vector.shape_cast %get3A_641 : vector<1x16xf32> to vector<16xf32>
      %add3A_643 = arith.addf %get3A_638, %get3A_642 : vector<16xf32>
      %swap3A_644 = arith.index_cast %scan3A_19 : i32 to index
      %swap3A_645 = arith.constant 704 : index
      %swap3A_646 = tpu.vector_load %arg8[%swap3A_644, %swap3A_645] {strides = array<i32>} : memref<32x768xf32, #tpu.memory_space<vmem>>, vector<1x16xf32>,
      %swap3A_647 = vector.shape_cast %swap3A_646 : vector<1x16xf32> to vector<16xf32>
      %swap3A_648 = vector.shape_cast %add3A_643 : vector<16xf32> to vector<1x16xf32>
      tpu.vector_store %arg8[%swap3A_644, %swap3A_645], %swap3A_648 {strides = array<i32>} : memref<32x768xf32, #tpu.memory_space<vmem>>, vector<1x16xf32>,
      %get3A_649 = arith.index_cast %scan3A_19 : i32 to index
      %get3A_650 = arith.constant 720 : index
      %get3A_651 = tpu.vector_load %arg8[%get3A_649, %get3A_650] {strides = array<i32>} : memref<32x768xf32, #tpu.memory_space<vmem>>, vector<1x16xf32>,
      %get3A_652 = vector.shape_cast %get3A_651 : vector<1x16xf32> to vector<16xf32>
      %get3A_653 = arith.index_cast %scan3A_19 : i32 to index
      %get3A_654 = arith.constant 720 : index
      %get3A_655 = tpu.vector_load %arg9[%get3A_653, %get3A_654] {strides = array<i32>} : memref<32x768xf32, #tpu.memory_space<vmem>>, vector<1x16xf32>,
      %get3A_656 = vector.shape_cast %get3A_655 : vector<1x16xf32> to vector<16xf32>
      %add3A_657 = arith.addf %get3A_652, %get3A_656 : vector<16xf32>
      %swap3A_658 = arith.index_cast %scan3A_19 : i32 to index
      %swap3A_659 = arith.constant 720 : index
      %swap3A_660 = tpu.vector_load %arg8[%swap3A_658, %swap3A_659] {strides = array<i32>} : memref<32x768xf32, #tpu.memory_space<vmem>>, vector<1x16xf32>,
      %swap3A_661 = vector.shape_cast %swap3A_660 : vector<1x16xf32> to vector<16xf32>
      %swap3A_662 = vector.shape_cast %add3A_657 : vector<16xf32> to vector<1x16xf32>
      tpu.vector_store %arg8[%swap3A_658, %swap3A_659], %swap3A_662 {strides = array<i32>} : memref<32x768xf32, #tpu.memory_space<vmem>>, vector<1x16xf32>,
      %get3A_663 = arith.index_cast %scan3A_19 : i32 to index
      %get3A_664 = arith.constant 736 : index
      %get3A_665 = tpu.vector_load %arg8[%get3A_663, %get3A_664] {strides = array<i32>} : memref<32x768xf32, #tpu.memory_space<vmem>>, vector<1x16xf32>,
      %get3A_666 = vector.shape_cast %get3A_665 : vector<1x16xf32> to vector<16xf32>
      %get3A_667 = arith.index_cast %scan3A_19 : i32 to index
      %get3A_668 = arith.constant 736 : index
      %get3A_669 = tpu.vector_load %arg9[%get3A_667, %get3A_668] {strides = array<i32>} : memref<32x768xf32, #tpu.memory_space<vmem>>, vector<1x16xf32>,
      %get3A_670 = vector.shape_cast %get3A_669 : vector<1x16xf32> to vector<16xf32>
      %add3A_671 = arith.addf %get3A_666, %get3A_670 : vector<16xf32>
      %swap3A_672 = arith.index_cast %scan3A_19 : i32 to index
      %swap3A_673 = arith.constant 736 : index
      %swap3A_674 = tpu.vector_load %arg8[%swap3A_672, %swap3A_673] {strides = array<i32>} : memref<32x768xf32, #tpu.memory_space<vmem>>, vector<1x16xf32>,
      %swap3A_675 = vector.shape_cast %swap3A_674 : vector<1x16xf32> to vector<16xf32>
      %swap3A_676 = vector.shape_cast %add3A_671 : vector<16xf32> to vector<1x16xf32>
      tpu.vector_store %arg8[%swap3A_672, %swap3A_673], %swap3A_676 {strides = array<i32>} : memref<32x768xf32, #tpu.memory_space<vmem>>, vector<1x16xf32>,
      %get3A_677 = arith.index_cast %scan3A_19 : i32 to index
      %get3A_678 = arith.constant 752 : index
      %get3A_679 = tpu.vector_load %arg8[%get3A_677, %get3A_678] {strides = array<i32>} : memref<32x768xf32, #tpu.memory_space<vmem>>, vector<1x16xf32>,
      %get3A_680 = vector.shape_cast %get3A_679 : vector<1x16xf32> to vector<16xf32>
      %get3A_681 = arith.index_cast %scan3A_19 : i32 to index
      %get3A_682 = arith.constant 752 : index
      %get3A_683 = tpu.vector_load %arg9[%get3A_681, %get3A_682] {strides = array<i32>} : memref<32x768xf32, #tpu.memory_space<vmem>>, vector<1x16xf32>,
      %get3A_684 = vector.shape_cast %get3A_683 : vector<1x16xf32> to vector<16xf32>
      %add3A_685 = arith.addf %get3A_680, %get3A_684 : vector<16xf32>
      %swap3A_686 = arith.index_cast %scan3A_19 : i32 to index
      %swap3A_687 = arith.constant 752 : index
      %swap3A_688 = tpu.vector_load %arg8[%swap3A_686, %swap3A_687] {strides = array<i32>} : memref<32x768xf32, #tpu.memory_space<vmem>>, vector<1x16xf32>,
      %swap3A_689 = vector.shape_cast %swap3A_688 : vector<1x16xf32> to vector<16xf32>
      %swap3A_690 = vector.shape_cast %add3A_685 : vector<16xf32> to vector<1x16xf32>
      tpu.vector_store %arg8[%swap3A_686, %swap3A_687], %swap3A_690 {strides = array<i32>} : memref<32x768xf32, #tpu.memory_space<vmem>>, vector<1x16xf32>,
      %scan3A_691 = arith.constant 0 : i32
      scf.yield %scan3A_691 : i32
    }
    %scan3A_18 = arith.constant 32 : i32
    "tpu.region"() ({
      %run_scoped3A = tpu.sem_alloc : memref<!tpu.dma_semaphore, #tpu.memory_space<semaphore_mem>>
      %dma_start3A_19 = arith.constant 0 : i32
      %dma_start3A_20 = tpu.memref_slice %arg5[%mul3A_2, %dma_start3A_19] : memref<1024x768xf32, #tpu.memory_space<hbm>> -> memref<32x768xf32, #tpu.memory_space<hbm>>
      %dma_start3A_21 = arith.constant 0 : i32
      %dma_start3A_22 = tpu.memref_slice %arg5[%mul3A_2, %dma_start3A_21] : memref<1024x768xf32, #tpu.memory_space<hbm>> -> memref<32x768xf32, #tpu.memory_space<hbm>>
      tpu.enqueue_dma source(%arg8 : memref<32x768xf32, #tpu.memory_space<vmem>>) target(%dma_start3A_22 : memref<32x768xf32, #tpu.memory_space<hbm>>) target_semaphore(%run_scoped3A : memref<!tpu.dma_semaphore, #tpu.memory_space<semaphore_mem>>)
      %dma_wait3A_23 = arith.constant 0 : i32
      %dma_wait3A_24 = tpu.memref_slice %arg5[%mul3A_2, %dma_wait3A_23] : memref<1024x768xf32, #tpu.memory_space<hbm>> -> memref<32x768xf32, #tpu.memory_space<hbm>>
      %dma_wait3A_25 = arith.constant 0 : i32
      %dma_wait3A_26 = tpu.memref_slice %arg5[%mul3A_2, %dma_wait3A_25] : memref<1024x768xf32, #tpu.memory_space<hbm>> -> memref<32x768xf32, #tpu.memory_space<hbm>>
      tpu.wait_dma2 semaphore(%run_scoped3A : memref<!tpu.dma_semaphore, #tpu.memory_space<semaphore_mem>>) src(%arg8 : memref<32x768xf32, #tpu.memory_space<vmem>>) dst(%dma_wait3A_26 : memref<32x768xf32, #tpu.memory_space<hbm>>)
      tpu.yield
    }) : () -> ()
    return
  }
}

module attributes {stable_mosaic.version = 14 : i64} {
  func.func @_k1_body(%arg0: i32, %arg1: memref<256x768xf32, #tpu.memory_space<vmem>>, %arg2: memref<1x768xf32, #tpu.memory_space<vmem>>, %arg3: memref<1x768xf32, #tpu.memory_space<vmem>>, %arg4: memref<768x8xf32, #tpu.memory_space<vmem>>, %arg5: memref<1x8xf32, #tpu.memory_space<vmem>>, %arg6: memref<256x768xf32, #tpu.memory_space<vmem>>, %arg7: memref<256x768xbf16, #tpu.memory_space<vmem>>, %arg8: memref<256x1xi32, #tpu.memory_space<vmem>>, %arg9: memref<256x1xi32, #tpu.memory_space<vmem>>, %arg10: memref<256x1xf32, #tpu.memory_space<vmem>>, %arg11: memref<256x1xf32, #tpu.memory_space<vmem>>, %arg12: memref<1x8xf32, #tpu.memory_space<vmem>>) attributes {dimension_semantics = [#tpu.dimension_semantics<arbitrary>], iteration_bounds = array<i64: 8>, scalar_prefetch = 0 : i64, scratch_operands = 1 : i64, tpu.core_type = #tpu.core_type<tc>, window_params = [{transform_indices = @transform_0, window_bounds = array<i64: 256, 768>}, {pipeline_mode = #tpu.pipeline_mode<synchronous>, transform_indices = @transform_1, window_bounds = array<i64: 1, 768>}, {pipeline_mode = #tpu.pipeline_mode<synchronous>, transform_indices = @transform_2, window_bounds = array<i64: 1, 768>}, {pipeline_mode = #tpu.pipeline_mode<synchronous>, transform_indices = @transform_3, window_bounds = array<i64: 768, 8>}, {pipeline_mode = #tpu.pipeline_mode<synchronous>, transform_indices = @transform_4, window_bounds = array<i64: 1, 8>}, {transform_indices = @transform_5, window_bounds = array<i64: 256, 768>}, {transform_indices = @transform_6, window_bounds = array<i64: 256, 768>}, {transform_indices = @transform_7, window_bounds = array<i64: 256, 1>}, {transform_indices = @transform_8, window_bounds = array<i64: 256, 1>}, {transform_indices = @transform_9, window_bounds = array<i64: 256, 1>}, {transform_indices = @transform_10, window_bounds = array<i64: 256, 1>}]} {
    %get3A = arith.constant 0 : index
    %get3A_0 = arith.constant 0 : index
    %get3A_1 = vector.load %arg1[%get3A, %get3A_0] : memref<256x768xf32, #tpu.memory_space<vmem>>, vector<256x768xf32>
    %reduce_sum3A = arith.constant dense<0.000000e+00> : vector<256xf32>
    %reduce_sum3A_2 = vector.multi_reduction <add>, %get3A_1, %reduce_sum3A [1] : vector<256x768xf32> to vector<256xf32>
    %broadcast_in_dim3A = vector.shape_cast %reduce_sum3A_2 : vector<256xf32> to vector<256x1xf32>
    %div3A = arith.constant 7.680000e+02 : f32
    %div3A_3 = vector.broadcast %div3A : f32 to vector<256x1xf32>
    %div3A_4 = arith.divf %broadcast_in_dim3A, %div3A_3 : vector<256x1xf32>
    %sub3A = vector.broadcast %div3A_4 : vector<256x1xf32> to vector<256x768xf32>
    %sub3A_5 = arith.subf %get3A_1, %sub3A : vector<256x768xf32>
    %integer_pow3A = arith.mulf %sub3A_5, %sub3A_5 : vector<256x768xf32>
    %reduce_sum3A_6 = arith.constant dense<0.000000e+00> : vector<256xf32>
    %reduce_sum3A_7 = vector.multi_reduction <add>, %integer_pow3A, %reduce_sum3A_6 [1] : vector<256x768xf32> to vector<256xf32>
    %broadcast_in_dim3A_8 = vector.shape_cast %reduce_sum3A_7 : vector<256xf32> to vector<256x1xf32>
    %div3A_9 = arith.constant 7.680000e+02 : f32
    %div3A_10 = vector.broadcast %div3A_9 : f32 to vector<256x1xf32>
    %div3A_11 = arith.divf %broadcast_in_dim3A_8, %div3A_10 : vector<256x1xf32>
    %sub3A_12 = vector.broadcast %div3A_4 : vector<256x1xf32> to vector<256x768xf32>
    %sub3A_13 = arith.subf %get3A_1, %sub3A_12 : vector<256x768xf32>
    %add3A = arith.constant 9.99999997E-7 : f32
    %add3A_14 = vector.broadcast %add3A : f32 to vector<256x1xf32>
    %add3A_15 = arith.addf %div3A_11, %add3A_14 : vector<256x1xf32>
    %rsqrt3A = math.rsqrt %add3A_15 : vector<256x1xf32>
    %mul3A = vector.broadcast %rsqrt3A : vector<256x1xf32> to vector<256x768xf32>
    %mul3A_16 = arith.mulf %sub3A_13, %mul3A : vector<256x768xf32>
    %get3A_17 = arith.constant 0 : index
    %get3A_18 = arith.constant 0 : index
    %get3A_19 = vector.load %arg2[%get3A_17, %get3A_18] : memref<1x768xf32, #tpu.memory_space<vmem>>, vector<1x768xf32>
    %mul3A_20 = vector.broadcast %get3A_19 : vector<1x768xf32> to vector<256x768xf32>
    %mul3A_21 = arith.mulf %mul3A_16, %mul3A_20 : vector<256x768xf32>
    %get3A_22 = arith.constant 0 : index
    %get3A_23 = arith.constant 0 : index
    %get3A_24 = vector.load %arg3[%get3A_22, %get3A_23] : memref<1x768xf32, #tpu.memory_space<vmem>>, vector<1x768xf32>
    %add3A_25 = vector.broadcast %get3A_24 : vector<1x768xf32> to vector<256x768xf32>
    %add3A_26 = arith.addf %mul3A_21, %add3A_25 : vector<256x768xf32>
    %max3A = arith.constant 0.000000e+00 : f32
    %max3A_27 = vector.broadcast %max3A : f32 to vector<256x768xf32>
    %max3A_28 = arith.maximumf %add3A_26, %max3A_27 : vector<256x768xf32>
    %lt3A = arith.constant 4 : i32
    %lt3A_29 = arith.cmpi slt, %arg0, %lt3A : i32
    %convert_element_type3A = arith.extui %lt3A_29 : i1 to i32
    %cond3A = arith.constant 0 : i32
    %cond3A_30 = arith.cmpi ne, %convert_element_type3A, %cond3A : i32
    scf.if %cond3A_30 {
      %swap3A_154 = arith.constant 0 : index
      %swap3A_155 = arith.constant 0 : index
      %swap3A_156 = vector.load %arg6[%swap3A_154, %swap3A_155] : memref<256x768xf32, #tpu.memory_space<vmem>>, vector<256x768xf32>
      tpu.vector_store %arg6[%swap3A_154, %swap3A_155], %max3A_28 {strides = array<i32>} : memref<256x768xf32, #tpu.memory_space<vmem>>, vector<256x768xf32>,
    } else {
    }
    %ge3A = arith.constant 4 : i32
    %ge3A_31 = arith.cmpi sge, %arg0, %ge3A : i32
    %convert_element_type3A_32 = arith.extui %ge3A_31 : i1 to i32
    %cond3A_33 = arith.constant 0 : i32
    %cond3A_34 = arith.cmpi ne, %convert_element_type3A_32, %cond3A_33 : i32
    scf.if %cond3A_34 {
      %convert_element_type3A_154 = arith.truncf %max3A_28 : vector<256x768xf32> to vector<256x768xbf16>
      %swap3A_155 = arith.constant 0 : index
      %swap3A_156 = arith.constant 0 : index
      %swap3A_157 = vector.load %arg7[%swap3A_155, %swap3A_156] : memref<256x768xbf16, #tpu.memory_space<vmem>>, vector<256x768xbf16>
      tpu.vector_store %arg7[%swap3A_155, %swap3A_156], %convert_element_type3A_154 {strides = array<i32>} : memref<256x768xbf16, #tpu.memory_space<vmem>>, vector<256x768xbf16>,
    } else {
    }
    %get3A_35 = arith.constant 0 : index
    %get3A_36 = arith.constant 0 : index
    %get3A_37 = vector.load %arg4[%get3A_35, %get3A_36] : memref<768x8xf32, #tpu.memory_space<vmem>>, vector<768x8xf32>
    %dot_general3A = arith.constant dense<0.000000e+00> : vector<256x8xf32>
    %dot_general3A_38 = tpu.matmul %max3A_28, %get3A_37, %dot_general3A {dimension_numbers = #tpu.dot_dimension_numbers<[1], [0], [0], [1], [0, 0, 1, 1], [], []>, transpose_lhs_hint = false} : vector<256x768xf32>, vector<768x8xf32>, vector<256x8xf32> -> vector<256x8xf32>
    %get3A_39 = arith.constant 0 : index
    %get3A_40 = arith.constant 0 : index
    %get3A_41 = vector.load %arg5[%get3A_39, %get3A_40] : memref<1x8xf32, #tpu.memory_space<vmem>>, vector<1x8xf32>
    %add3A_42 = vector.broadcast %get3A_41 : vector<1x8xf32> to vector<256x8xf32>
    %add3A_43 = arith.addf %dot_general3A_38, %add3A_42 : vector<256x8xf32>
    %iota3A = tpu.iota {dimensions = array<i32: 1>} : vector<256x8xi32>
    %reduce_max3A = arith.constant dense<0xFF800000> : vector<256xf32>
    %reduce_max3A_44 = vector.multi_reduction <maximumf>, %add3A_43, %reduce_max3A [1] : vector<256x8xf32> to vector<256xf32>
    %broadcast_in_dim3A_45 = vector.shape_cast %reduce_max3A_44 : vector<256xf32> to vector<256x1xf32>
    %eq3A = vector.broadcast %broadcast_in_dim3A_45 : vector<256x1xf32> to vector<256x8xf32>
    %eq3A_46 = arith.cmpf oeq, %add3A_43, %eq3A : vector<256x8xf32>
    %jit3A = arith.constant 8 : i32
    %broadcast_in_dim3A_47 = vector.broadcast %jit3A : i32 to vector<256x8xi32>
    %select_n3A = arith.select %eq3A_46, %iota3A, %broadcast_in_dim3A_47 : vector<256x8xi1>, vector<256x8xi32>
    %reduce_min3A = arith.constant dense<2147483647> : vector<256xi32>
    %reduce_min3A_48 = vector.multi_reduction <minsi>, %select_n3A, %reduce_min3A [1] : vector<256x8xi32> to vector<256xi32>
    %broadcast_in_dim3A_49 = vector.shape_cast %reduce_min3A_48 : vector<256xi32> to vector<256x1xi32>
    %eq3A_50 = vector.broadcast %broadcast_in_dim3A_49 : vector<256x1xi32> to vector<256x8xi32>
    %eq3A_51 = arith.cmpi eq, %iota3A, %eq3A_50 : vector<256x8xi32>
    %jit3A_52 = arith.constant 0xFF800000 : f32
    %broadcast_in_dim3A_53 = vector.broadcast %jit3A_52 : f32 to vector<256x8xf32>
    %select_n3A_54 = arith.select %eq3A_51, %broadcast_in_dim3A_53, %add3A_43 : vector<256x8xi1>, vector<256x8xf32>
    %reduce_max3A_55 = arith.constant dense<0xFF800000> : vector<256xf32>
    %reduce_max3A_56 = vector.multi_reduction <maximumf>, %select_n3A_54, %reduce_max3A_55 [1] : vector<256x8xf32> to vector<256xf32>
    %broadcast_in_dim3A_57 = vector.shape_cast %reduce_max3A_56 : vector<256xf32> to vector<256x1xf32>
    %eq3A_58 = vector.broadcast %broadcast_in_dim3A_57 : vector<256x1xf32> to vector<256x8xf32>
    %eq3A_59 = arith.cmpf oeq, %select_n3A_54, %eq3A_58 : vector<256x8xf32>
    %jit3A_60 = arith.constant 8 : i32
    %broadcast_in_dim3A_61 = vector.broadcast %jit3A_60 : i32 to vector<256x8xi32>
    %select_n3A_62 = arith.select %eq3A_59, %iota3A, %broadcast_in_dim3A_61 : vector<256x8xi1>, vector<256x8xi32>
    %reduce_min3A_63 = arith.constant dense<2147483647> : vector<256xi32>
    %reduce_min3A_64 = vector.multi_reduction <minsi>, %select_n3A_62, %reduce_min3A_63 [1] : vector<256x8xi32> to vector<256xi32>
    %broadcast_in_dim3A_65 = vector.shape_cast %reduce_min3A_64 : vector<256xi32> to vector<256x1xi32>
    %sub3A_66 = arith.subf %broadcast_in_dim3A_57, %broadcast_in_dim3A_45 : vector<256x1xf32>
    %exp3A = math.exp %sub3A_66 : vector<256x1xf32>
    %add3A_67 = arith.constant 1.000000e+00 : f32
    %add3A_68 = vector.broadcast %add3A_67 : f32 to vector<256x1xf32>
    %add3A_69 = arith.addf %add3A_68, %exp3A : vector<256x1xf32>
    %div3A_70 = arith.constant 1.000000e+00 : f32
    %div3A_71 = vector.broadcast %div3A_70 : f32 to vector<256x1xf32>
    %div3A_72 = arith.divf %div3A_71, %add3A_69 : vector<256x1xf32>
    %swap3A = arith.constant 0 : index
    %swap3A_73 = arith.constant 0 : index
    %swap3A_74 = vector.load %arg10[%swap3A, %swap3A_73] : memref<256x1xf32, #tpu.memory_space<vmem>>, vector<256x1xf32>
    tpu.vector_store %arg10[%swap3A, %swap3A_73], %div3A_72 {strides = array<i32>} : memref<256x1xf32, #tpu.memory_space<vmem>>, vector<256x1xf32>,
    %add3A_75 = arith.constant 1.000000e+00 : f32
    %add3A_76 = vector.broadcast %add3A_75 : f32 to vector<256x1xf32>
    %add3A_77 = arith.addf %add3A_76, %exp3A : vector<256x1xf32>
    %div3A_78 = arith.divf %exp3A, %add3A_77 : vector<256x1xf32>
    %swap3A_79 = arith.constant 0 : index
    %swap3A_80 = arith.constant 0 : index
    %swap3A_81 = vector.load %arg11[%swap3A_79, %swap3A_80] : memref<256x1xf32, #tpu.memory_space<vmem>>, vector<256x1xf32>
    tpu.vector_store %arg11[%swap3A_79, %swap3A_80], %div3A_78 {strides = array<i32>} : memref<256x1xf32, #tpu.memory_space<vmem>>, vector<256x1xf32>,
    %eq3A_82 = vector.broadcast %broadcast_in_dim3A_49 : vector<256x1xi32> to vector<256x8xi32>
    %eq3A_83 = arith.cmpi eq, %iota3A, %eq3A_82 : vector<256x8xi32>
    %convert_element_type3A_84 = arith.extui %eq3A_83 : vector<256x8xi1> to vector<256x8xi32>
    %convert_element_type3A_85 = arith.sitofp %convert_element_type3A_84 : vector<256x8xi32> to vector<256x8xf32>
    %eq3A_86 = vector.broadcast %broadcast_in_dim3A_65 : vector<256x1xi32> to vector<256x8xi32>
    %eq3A_87 = arith.cmpi eq, %iota3A, %eq3A_86 : vector<256x8xi32>
    %convert_element_type3A_88 = arith.extui %eq3A_87 : vector<256x8xi1> to vector<256x8xi32>
    %convert_element_type3A_89 = arith.sitofp %convert_element_type3A_88 : vector<256x8xi32> to vector<256x8xf32>
    %add3A_90 = arith.addf %convert_element_type3A_85, %convert_element_type3A_89 : vector<256x8xf32>
    %iota3A_91 = tpu.iota {dimensions = array<i32: 0>} : vector<256x256xi32>
    %iota3A_92 = tpu.iota {dimensions = array<i32: 1>} : vector<256x256xi32>
    %lt3A_93 = arith.cmpi slt, %iota3A_92, %iota3A_91 : vector<256x256xi32>
    %convert_element_type3A_94 = arith.extui %lt3A_93 : vector<256x256xi1> to vector<256x256xi32>
    %convert_element_type3A_95 = arith.sitofp %convert_element_type3A_94 : vector<256x256xi32> to vector<256x256xf32>
    %dot_general3A_96 = arith.constant dense<0.000000e+00> : vector<256x8xf32>
    %dot_general3A_97 = tpu.matmul %convert_element_type3A_95, %add3A_90, %dot_general3A_96 {dimension_numbers = #tpu.dot_dimension_numbers<[1], [0], [0], [1], [0, 0, 1, 1], [], []>, transpose_lhs_hint = false} : vector<256x256xf32>, vector<256x8xf32>, vector<256x8xf32> -> vector<256x8xf32>
    %eq3A_98 = arith.constant 0 : i32
    %eq3A_99 = arith.cmpi eq, %arg0, %eq3A_98 : i32
    %convert_element_type3A_100 = arith.extui %eq3A_99 : i1 to i32
    %cond3A_101 = arith.constant 0 : i32
    %cond3A_102 = arith.cmpi ne, %convert_element_type3A_100, %cond3A_101 : i32
    scf.if %cond3A_102 {
      %broadcast_in_dim3A_154 = arith.constant 0.000000e+00 : f32
      %broadcast_in_dim3A_155 = vector.broadcast %broadcast_in_dim3A_154 : f32 to vector<1x8xf32>
      %swap3A_156 = arith.constant 0 : index
      %swap3A_157 = arith.constant 0 : index
      %swap3A_158 = vector.load %arg12[%swap3A_156, %swap3A_157] : memref<1x8xf32, #tpu.memory_space<vmem>>, vector<1x8xf32>
      tpu.vector_store %arg12[%swap3A_156, %swap3A_157], %broadcast_in_dim3A_155 {strides = array<i32>} : memref<1x8xf32, #tpu.memory_space<vmem>>, vector<1x8xf32>,
    } else {
    }
    %get3A_103 = arith.constant 0 : index
    %get3A_104 = arith.constant 0 : index
    %get3A_105 = vector.load %arg12[%get3A_103, %get3A_104] : memref<1x8xf32, #tpu.memory_space<vmem>>, vector<1x8xf32>
    %add3A_106 = vector.broadcast %get3A_105 : vector<1x8xf32> to vector<256x8xf32>
    %add3A_107 = arith.addf %dot_general3A_97, %add3A_106 : vector<256x8xf32>
    %get3A_108 = arith.constant 0 : index
    %get3A_109 = arith.constant 0 : index
    %get3A_110 = vector.load %arg12[%get3A_108, %get3A_109] : memref<1x8xf32, #tpu.memory_space<vmem>>, vector<1x8xf32>
    %reduce_sum3A_111 = arith.constant dense<0.000000e+00> : vector<8xf32>
    %reduce_sum3A_112 = vector.multi_reduction <add>, %add3A_90, %reduce_sum3A_111 [0] : vector<256x8xf32> to vector<8xf32>
    %broadcast_in_dim3A_113 = vector.shape_cast %reduce_sum3A_112 : vector<8xf32> to vector<1x8xf32>
    %add3A_114 = arith.addf %get3A_110, %broadcast_in_dim3A_113 : vector<1x8xf32>
    %swap3A_115 = arith.constant 0 : index
    %swap3A_116 = arith.constant 0 : index
    %swap3A_117 = vector.load %arg12[%swap3A_115, %swap3A_116] : memref<1x8xf32, #tpu.memory_space<vmem>>, vector<1x8xf32>
    tpu.vector_store %arg12[%swap3A_115, %swap3A_116], %add3A_114 {strides = array<i32>} : memref<1x8xf32, #tpu.memory_space<vmem>>, vector<1x8xf32>,
    %mul3A_118 = arith.mulf %add3A_107, %convert_element_type3A_85 : vector<256x8xf32>
    %reduce_sum3A_119 = arith.constant dense<0.000000e+00> : vector<256xf32>
    %reduce_sum3A_120 = vector.multi_reduction <add>, %mul3A_118, %reduce_sum3A_119 [1] : vector<256x8xf32> to vector<256xf32>
    %broadcast_in_dim3A_121 = vector.shape_cast %reduce_sum3A_120 : vector<256xf32> to vector<256x1xf32>
    %convert_element_type3A_122 = arith.fptosi %broadcast_in_dim3A_121 : vector<256x1xf32> to vector<256x1xi32>
    %mul3A_123 = arith.mulf %add3A_107, %convert_element_type3A_89 : vector<256x8xf32>
    %reduce_sum3A_124 = arith.constant dense<0.000000e+00> : vector<256xf32>
    %reduce_sum3A_125 = vector.multi_reduction <add>, %mul3A_123, %reduce_sum3A_124 [1] : vector<256x8xf32> to vector<256xf32>
    %broadcast_in_dim3A_126 = vector.shape_cast %reduce_sum3A_125 : vector<256xf32> to vector<256x1xf32>
    %convert_element_type3A_127 = arith.fptosi %broadcast_in_dim3A_126 : vector<256x1xf32> to vector<256x1xi32>
    %lt3A_128 = arith.constant 512 : i32
    %lt3A_129 = vector.broadcast %lt3A_128 : i32 to vector<256x1xi32>
    %lt3A_130 = arith.cmpi slt, %convert_element_type3A_122, %lt3A_129 : vector<256x1xi32>
    %mul3A_131 = arith.constant 512 : i32
    %mul3A_132 = vector.broadcast %mul3A_131 : i32 to vector<256x1xi32>
    %mul3A_133 = arith.muli %broadcast_in_dim3A_49, %mul3A_132 : vector<256x1xi32>
    %add3A_134 = arith.addi %mul3A_133, %convert_element_type3A_122 : vector<256x1xi32>
    %jit3A_135 = arith.constant 4096 : i32
    %broadcast_in_dim3A_136 = vector.broadcast %jit3A_135 : i32 to vector<256x1xi32>
    %select_n3A_137 = arith.select %lt3A_130, %add3A_134, %broadcast_in_dim3A_136 : vector<256x1xi1>, vector<256x1xi32>
    %swap3A_138 = arith.constant 0 : index
    %swap3A_139 = arith.constant 0 : index
    %swap3A_140 = vector.load %arg8[%swap3A_138, %swap3A_139] : memref<256x1xi32, #tpu.memory_space<vmem>>, vector<256x1xi32>
    tpu.vector_store %arg8[%swap3A_138, %swap3A_139], %select_n3A_137 {strides = array<i32>} : memref<256x1xi32, #tpu.memory_space<vmem>>, vector<256x1xi32>,
    %lt3A_141 = arith.constant 512 : i32
    %lt3A_142 = vector.broadcast %lt3A_141 : i32 to vector<256x1xi32>
    %lt3A_143 = arith.cmpi slt, %convert_element_type3A_127, %lt3A_142 : vector<256x1xi32>
    %mul3A_144 = arith.constant 512 : i32
    %mul3A_145 = vector.broadcast %mul3A_144 : i32 to vector<256x1xi32>
    %mul3A_146 = arith.muli %broadcast_in_dim3A_65, %mul3A_145 : vector<256x1xi32>
    %add3A_147 = arith.addi %mul3A_146, %convert_element_type3A_127 : vector<256x1xi32>
    %jit3A_148 = arith.constant 4096 : i32
    %broadcast_in_dim3A_149 = vector.broadcast %jit3A_148 : i32 to vector<256x1xi32>
    %select_n3A_150 = arith.select %lt3A_143, %add3A_147, %broadcast_in_dim3A_149 : vector<256x1xi1>, vector<256x1xi32>
    %swap3A_151 = arith.constant 0 : index
    %swap3A_152 = arith.constant 0 : index
    %swap3A_153 = vector.load %arg9[%swap3A_151, %swap3A_152] : memref<256x1xi32, #tpu.memory_space<vmem>>, vector<256x1xi32>
    tpu.vector_store %arg9[%swap3A_151, %swap3A_152], %select_n3A_150 {strides = array<i32>} : memref<256x1xi32, #tpu.memory_space<vmem>>, vector<256x1xi32>,
    return
  }
  func.func @transform_0(%arg0: i32) -> (i32, i32) {
    %c0_i32 = arith.constant 0 : i32
    %c0_i32_0 = arith.constant 0 : i32
    return %arg0, %c0_i32 : i32, i32
  }
  func.func @transform_1(%arg0: i32) -> (i32, i32) {
    %c0_i32 = arith.constant 0 : i32
    %c0_i32_0 = arith.constant 0 : i32
    %c0_i32_1 = arith.constant 0 : i32
    return %c0_i32, %c0_i32_0 : i32, i32
  }
  func.func @transform_2(%arg0: i32) -> (i32, i32) {
    %c0_i32 = arith.constant 0 : i32
    %c0_i32_0 = arith.constant 0 : i32
    %c0_i32_1 = arith.constant 0 : i32
    return %c0_i32, %c0_i32_0 : i32, i32
  }
  func.func @transform_3(%arg0: i32) -> (i32, i32) {
    %c0_i32 = arith.constant 0 : i32
    %c0_i32_0 = arith.constant 0 : i32
    %c0_i32_1 = arith.constant 0 : i32
    return %c0_i32, %c0_i32_0 : i32, i32
  }
  func.func @transform_4(%arg0: i32) -> (i32, i32) {
    %c0_i32 = arith.constant 0 : i32
    %c0_i32_0 = arith.constant 0 : i32
    %c0_i32_1 = arith.constant 0 : i32
    return %c0_i32, %c0_i32_0 : i32, i32
  }
  func.func @transform_5(%arg0: i32) -> (i32, i32) {
    %min3A = arith.constant 3 : i32
    %min3A_0 = arith.minsi %arg0, %min3A : i32
    %c0_i32 = arith.constant 0 : i32
    %c0_i32_1 = arith.constant 0 : i32
    return %min3A_0, %c0_i32 : i32, i32
  }
  func.func @transform_6(%arg0: i32) -> (i32, i32) {
    %sub3A = arith.constant 4 : i32
    %sub3A_0 = arith.subi %arg0, %sub3A : i32
    %max3A = arith.constant 0 : i32
    %max3A_1 = arith.maxsi %sub3A_0, %max3A : i32
    %c0_i32 = arith.constant 0 : i32
    %c0_i32_2 = arith.constant 0 : i32
    return %max3A_1, %c0_i32 : i32, i32
  }
  func.func @transform_7(%arg0: i32) -> (i32, i32) {
    %c0_i32 = arith.constant 0 : i32
    %c0_i32_0 = arith.constant 0 : i32
    return %arg0, %c0_i32 : i32, i32
  }
  func.func @transform_8(%arg0: i32) -> (i32, i32) {
    %c0_i32 = arith.constant 0 : i32
    %c0_i32_0 = arith.constant 0 : i32
    return %arg0, %c0_i32 : i32, i32
  }
  func.func @transform_9(%arg0: i32) -> (i32, i32) {
    %c0_i32 = arith.constant 0 : i32
    %c0_i32_0 = arith.constant 0 : i32
    return %arg0, %c0_i32 : i32, i32
  }
  func.func @transform_10(%arg0: i32) -> (i32, i32) {
    %c0_i32 = arith.constant 0 : i32
    %c0_i32_0 = arith.constant 0 : i32
    return %arg0, %c0_i32 : i32, i32
  }
}

module attributes {stable_mosaic.version = 14 : i64} {
  func.func @_k1g_body(%arg0: i32, %arg1: memref<1x2048xi32, #tpu.memory_space<vmem>>, %arg2: memref<1x2048xi32, #tpu.memory_space<vmem>>, %arg3: memref<1x2048xf32, #tpu.memory_space<vmem>>, %arg4: memref<1x2048xf32, #tpu.memory_space<vmem>>, %arg5: memref<512x1xf32, #tpu.memory_space<vmem>>, %arg6: memref<512x1xf32, #tpu.memory_space<vmem>>) attributes {dimension_semantics = [#tpu.dimension_semantics<arbitrary>], iteration_bounds = array<i64: 8>, scalar_prefetch = 0 : i64, scratch_operands = 0 : i64, tpu.core_type = #tpu.core_type<tc>, window_params = [{pipeline_mode = #tpu.pipeline_mode<synchronous>, transform_indices = @transform_0, window_bounds = array<i64: 1, 2048>}, {pipeline_mode = #tpu.pipeline_mode<synchronous>, transform_indices = @transform_1, window_bounds = array<i64: 1, 2048>}, {pipeline_mode = #tpu.pipeline_mode<synchronous>, transform_indices = @transform_2, window_bounds = array<i64: 1, 2048>}, {pipeline_mode = #tpu.pipeline_mode<synchronous>, transform_indices = @transform_3, window_bounds = array<i64: 1, 2048>}, {transform_indices = @transform_4, window_bounds = array<i64: 512, 1>}, {transform_indices = @transform_5, window_bounds = array<i64: 512, 1>}]} {
    %mul3A = arith.constant 512 : i32
    %mul3A_0 = arith.muli %arg0, %mul3A : i32
    %iota3A = tpu.iota {dimensions = array<i32: 0>} : vector<512x1xi32>
    %add3A = vector.broadcast %mul3A_0 : i32 to vector<512x1xi32>
    %add3A_1 = arith.addi %add3A, %iota3A : vector<512x1xi32>
    %get3A = arith.constant 0 : index
    %get3A_2 = arith.constant 0 : index
    %get3A_3 = vector.load %arg1[%get3A, %get3A_2] : memref<1x2048xi32, #tpu.memory_space<vmem>>, vector<1x2048xi32>
    %eq3A = vector.broadcast %add3A_1 : vector<512x1xi32> to vector<512x2048xi32>
    %eq3A_4 = vector.broadcast %get3A_3 : vector<1x2048xi32> to vector<512x2048xi32>
    %eq3A_5 = arith.cmpi eq, %eq3A, %eq3A_4 : vector<512x2048xi32>
    %get3A_6 = arith.constant 0 : index
    %get3A_7 = arith.constant 0 : index
    %get3A_8 = vector.load %arg2[%get3A_6, %get3A_7] : memref<1x2048xi32, #tpu.memory_space<vmem>>, vector<1x2048xi32>
    %eq3A_9 = vector.broadcast %add3A_1 : vector<512x1xi32> to vector<512x2048xi32>
    %eq3A_10 = vector.broadcast %get3A_8 : vector<1x2048xi32> to vector<512x2048xi32>
    %eq3A_11 = arith.cmpi eq, %eq3A_9, %eq3A_10 : vector<512x2048xi32>
    %get3A_12 = arith.constant 0 : index
    %get3A_13 = arith.constant 0 : index
    %get3A_14 = vector.load %arg3[%get3A_12, %get3A_13] : memref<1x2048xf32, #tpu.memory_space<vmem>>, vector<1x2048xf32>
    %jit3A = arith.constant 0.000000e+00 : f32
    %broadcast_in_dim3A = vector.shape_cast %get3A_14 : vector<1x2048xf32> to vector<1x2048xf32>
    %broadcast_in_dim3A_15 = vector.broadcast %broadcast_in_dim3A : vector<1x2048xf32> to vector<512x2048xf32>
    %broadcast_in_dim3A_16 = vector.broadcast %jit3A : f32 to vector<512x2048xf32>
    %select_n3A = arith.select %eq3A_5, %broadcast_in_dim3A_15, %broadcast_in_dim3A_16 : vector<512x2048xi1>, vector<512x2048xf32>
    %reduce_sum3A = arith.constant dense<0.000000e+00> : vector<512xf32>
    %reduce_sum3A_17 = vector.multi_reduction <add>, %select_n3A, %reduce_sum3A [1] : vector<512x2048xf32> to vector<512xf32>
    %broadcast_in_dim3A_18 = vector.shape_cast %reduce_sum3A_17 : vector<512xf32> to vector<512x1xf32>
    %get3A_19 = arith.constant 0 : index
    %get3A_20 = arith.constant 0 : index
    %get3A_21 = vector.load %arg4[%get3A_19, %get3A_20] : memref<1x2048xf32, #tpu.memory_space<vmem>>, vector<1x2048xf32>
    %jit3A_22 = arith.constant 0.000000e+00 : f32
    %broadcast_in_dim3A_23 = vector.shape_cast %get3A_21 : vector<1x2048xf32> to vector<1x2048xf32>
    %broadcast_in_dim3A_24 = vector.broadcast %broadcast_in_dim3A_23 : vector<1x2048xf32> to vector<512x2048xf32>
    %broadcast_in_dim3A_25 = vector.broadcast %jit3A_22 : f32 to vector<512x2048xf32>
    %select_n3A_26 = arith.select %eq3A_11, %broadcast_in_dim3A_24, %broadcast_in_dim3A_25 : vector<512x2048xi1>, vector<512x2048xf32>
    %reduce_sum3A_27 = arith.constant dense<0.000000e+00> : vector<512xf32>
    %reduce_sum3A_28 = vector.multi_reduction <add>, %select_n3A_26, %reduce_sum3A_27 [1] : vector<512x2048xf32> to vector<512xf32>
    %broadcast_in_dim3A_29 = vector.shape_cast %reduce_sum3A_28 : vector<512xf32> to vector<512x1xf32>
    %add3A_30 = arith.addf %broadcast_in_dim3A_18, %broadcast_in_dim3A_29 : vector<512x1xf32>
    %swap3A = arith.constant 0 : index
    %swap3A_31 = arith.constant 0 : index
    %swap3A_32 = vector.load %arg5[%swap3A, %swap3A_31] : memref<512x1xf32, #tpu.memory_space<vmem>>, vector<512x1xf32>
    tpu.vector_store %arg5[%swap3A, %swap3A_31], %add3A_30 {strides = array<i32>} : memref<512x1xf32, #tpu.memory_space<vmem>>, vector<512x1xf32>,
    %iota3A_33 = tpu.iota {dimensions = array<i32: 1>} : vector<1x2048xi32>
    %lt3A = arith.constant 1024 : i32
    %lt3A_34 = vector.broadcast %lt3A : i32 to vector<1x2048xi32>
    %lt3A_35 = arith.cmpi slt, %iota3A_33, %lt3A_34 : vector<1x2048xi32>
    %or3A = arith.ori %eq3A_5, %eq3A_11 : vector<512x2048xi1>
    %and3A = vector.broadcast %lt3A_35 : vector<1x2048xi1> to vector<512x2048xi1>
    %and3A_36 = arith.andi %or3A, %and3A : vector<512x2048xi1>
    %convert_element_type3A = arith.extui %and3A_36 : vector<512x2048xi1> to vector<512x2048xi32>
    %convert_element_type3A_37 = arith.sitofp %convert_element_type3A : vector<512x2048xi32> to vector<512x2048xf32>
    %reduce_sum3A_38 = arith.constant dense<0.000000e+00> : vector<512xf32>
    %reduce_sum3A_39 = vector.multi_reduction <add>, %convert_element_type3A_37, %reduce_sum3A_38 [1] : vector<512x2048xf32> to vector<512xf32>
    %broadcast_in_dim3A_40 = vector.shape_cast %reduce_sum3A_39 : vector<512xf32> to vector<512x1xf32>
    %swap3A_41 = arith.constant 0 : index
    %swap3A_42 = arith.constant 0 : index
    %swap3A_43 = vector.load %arg6[%swap3A_41, %swap3A_42] : memref<512x1xf32, #tpu.memory_space<vmem>>, vector<512x1xf32>
    tpu.vector_store %arg6[%swap3A_41, %swap3A_42], %broadcast_in_dim3A_40 {strides = array<i32>} : memref<512x1xf32, #tpu.memory_space<vmem>>, vector<512x1xf32>,
    return
  }
  func.func @transform_0(%arg0: i32) -> (i32, i32) {
    %c0_i32 = arith.constant 0 : i32
    %c0_i32_0 = arith.constant 0 : i32
    %c0_i32_1 = arith.constant 0 : i32
    return %c0_i32, %c0_i32_0 : i32, i32
  }
  func.func @transform_1(%arg0: i32) -> (i32, i32) {
    %c0_i32 = arith.constant 0 : i32
    %c0_i32_0 = arith.constant 0 : i32
    %c0_i32_1 = arith.constant 0 : i32
    return %c0_i32, %c0_i32_0 : i32, i32
  }
  func.func @transform_2(%arg0: i32) -> (i32, i32) {
    %c0_i32 = arith.constant 0 : i32
    %c0_i32_0 = arith.constant 0 : i32
    %c0_i32_1 = arith.constant 0 : i32
    return %c0_i32, %c0_i32_0 : i32, i32
  }
  func.func @transform_3(%arg0: i32) -> (i32, i32) {
    %c0_i32 = arith.constant 0 : i32
    %c0_i32_0 = arith.constant 0 : i32
    %c0_i32_1 = arith.constant 0 : i32
    return %c0_i32, %c0_i32_0 : i32, i32
  }
  func.func @transform_4(%arg0: i32) -> (i32, i32) {
    %c0_i32 = arith.constant 0 : i32
    %c0_i32_0 = arith.constant 0 : i32
    return %arg0, %c0_i32 : i32, i32
  }
  func.func @transform_5(%arg0: i32) -> (i32, i32) {
    %c0_i32 = arith.constant 0 : i32
    %c0_i32_0 = arith.constant 0 : i32
    return %arg0, %c0_i32 : i32, i32
  }
}

module attributes {stable_mosaic.version = 14 : i64} {
  func.func @_k3_body(%arg0: i32, %arg1: memref<512x768xf32, #tpu.memory_space<vmem>>, %arg2: memref<512x1xf32, #tpu.memory_space<vmem>>, %arg3: memref<512x1xf32, #tpu.memory_space<vmem>>, %arg4: memref<1x2048xi32, #tpu.memory_space<vmem>>, %arg5: memref<1x2048xi32, #tpu.memory_space<vmem>>, %arg6: memref<1024x768xbf16, #tpu.memory_space<vmem>>, %arg7: memref<1x768x768xbf16, #tpu.memory_space<vmem>>, %arg8: memref<1x1x768xf32, #tpu.memory_space<vmem>>, %arg9: memref<1x1x768xf32, #tpu.memory_space<vmem>>, %arg10: memref<1x1x768xf32, #tpu.memory_space<vmem>>, %arg11: memref<1x768x768xbf16, #tpu.memory_space<vmem>>, %arg12: memref<1x1x768xf32, #tpu.memory_space<vmem>>, %arg13: memref<512x768xf32, #tpu.memory_space<vmem>>, %arg14: memref<512x768xbf16, #tpu.memory_space<vmem>>) attributes {dimension_semantics = [#tpu.dimension_semantics<arbitrary>], iteration_bounds = array<i64: 9>, scalar_prefetch = 0 : i64, scratch_operands = 0 : i64, tpu.core_type = #tpu.core_type<tc>, window_params = [{transform_indices = @transform_0, window_bounds = array<i64: 512, 768>}, {transform_indices = @transform_1, window_bounds = array<i64: 512, 1>}, {transform_indices = @transform_2, window_bounds = array<i64: 512, 1>}, {pipeline_mode = #tpu.pipeline_mode<synchronous>, transform_indices = @transform_3, window_bounds = array<i64: 1, 2048>}, {pipeline_mode = #tpu.pipeline_mode<synchronous>, transform_indices = @transform_4, window_bounds = array<i64: 1, 2048>}, {pipeline_mode = #tpu.pipeline_mode<synchronous>, transform_indices = @transform_5, window_bounds = array<i64: 1024, 768>}, {transform_indices = @transform_6, window_bounds = array<i64: 1, 768, 768>}, {transform_indices = @transform_7, window_bounds = array<i64: 1, 1, 768>}, {transform_indices = @transform_8, window_bounds = array<i64: 1, 1, 768>}, {transform_indices = @transform_9, window_bounds = array<i64: 1, 1, 768>}, {transform_indices = @transform_10, window_bounds = array<i64: 1, 768, 768>}, {transform_indices = @transform_11, window_bounds = array<i64: 1, 1, 768>}, {transform_indices = @transform_12, window_bounds = array<i64: 512, 768>}, {transform_indices = @transform_13, window_bounds = array<i64: 512, 768>}]} {
    %lt3A = arith.constant 8 : i32
    %lt3A_0 = arith.cmpi slt, %arg0, %lt3A : i32
    %convert_element_type3A = arith.extui %lt3A_0 : i1 to i32
    %cond3A = arith.constant 0 : i32
    %cond3A_1 = arith.cmpi ne, %convert_element_type3A, %cond3A : i32
    scf.if %cond3A_1 {
      %mul3A = arith.constant 512 : i32
      %mul3A_6 = arith.muli %arg0, %mul3A : i32
      %iota3A = tpu.iota {dimensions = array<i32: 0>} : vector<512x1xi32>
      %add3A = vector.broadcast %mul3A_6 : i32 to vector<512x1xi32>
      %add3A_7 = arith.addi %add3A, %iota3A : vector<512x1xi32>
      %get3A = arith.constant 0 : index
      %get3A_8 = arith.constant 0 : index
      %get3A_9 = vector.load %arg4[%get3A, %get3A_8] : memref<1x2048xi32, #tpu.memory_space<vmem>>, vector<1x2048xi32>
      %slice3A = vector.extract_strided_slice %get3A_9 {offsets = [0, 1024], sizes = [1, 1024], strides = [1, 1]} : vector<1x2048xi32> to vector<1x1024xi32>
      %get3A_10 = arith.constant 0 : index
      %get3A_11 = arith.constant 0 : index
      %get3A_12 = vector.load %arg5[%get3A_10, %get3A_11] : memref<1x2048xi32, #tpu.memory_space<vmem>>, vector<1x2048xi32>
      %slice3A_13 = vector.extract_strided_slice %get3A_12 {offsets = [0, 1024], sizes = [1, 1024], strides = [1, 1]} : vector<1x2048xi32> to vector<1x1024xi32>
      %eq3A_14 = vector.broadcast %add3A_7 : vector<512x1xi32> to vector<512x1024xi32>
      %eq3A_15 = vector.broadcast %slice3A : vector<1x1024xi32> to vector<512x1024xi32>
      %eq3A_16 = arith.cmpi eq, %eq3A_14, %eq3A_15 : vector<512x1024xi32>
      %eq3A_17 = vector.broadcast %add3A_7 : vector<512x1xi32> to vector<512x1024xi32>
      %eq3A_18 = vector.broadcast %slice3A_13 : vector<1x1024xi32> to vector<512x1024xi32>
      %eq3A_19 = arith.cmpi eq, %eq3A_17, %eq3A_18 : vector<512x1024xi32>
      %or3A = arith.ori %eq3A_16, %eq3A_19 : vector<512x1024xi1>
      %convert_element_type3A_20 = arith.extui %or3A : vector<512x1024xi1> to vector<512x1024xi32>
      %convert_element_type3A_21 = arith.sitofp %convert_element_type3A_20 : vector<512x1024xi32> to vector<512x1024xf32>
      %convert_element_type3A_22 = arith.truncf %convert_element_type3A_21 : vector<512x1024xf32> to vector<512x1024xbf16>
      %get3A_23 = arith.constant 0 : index
      %get3A_24 = arith.constant 0 : index
      %get3A_25 = vector.load %arg6[%get3A_23, %get3A_24] : memref<1024x768xbf16, #tpu.memory_space<vmem>>, vector<1024x768xbf16>
      %dot_general3A = arith.constant dense<0.000000e+00> : vector<512x768xf32>
      %dot_general3A_26 = tpu.matmul %convert_element_type3A_22, %get3A_25, %dot_general3A {dimension_numbers = #tpu.dot_dimension_numbers<[1], [0], [0], [1], [0, 0, 1, 1], [], []>, transpose_lhs_hint = false} : vector<512x1024xbf16>, vector<1024x768xbf16>, vector<512x768xf32> -> vector<512x768xf32>
      %get3A_27 = arith.constant 0 : index
      %get3A_28 = arith.constant 0 : index
      %get3A_29 = vector.load %arg3[%get3A_27, %get3A_28] : memref<512x1xf32, #tpu.memory_space<vmem>>, vector<512x1xf32>
      %gt3A = arith.constant 0.000000e+00 : f32
      %gt3A_30 = vector.broadcast %gt3A : f32 to vector<512x1xf32>
      %gt3A_31 = arith.cmpf ogt, %get3A_29, %gt3A_30 : vector<512x1xf32>
      %get3A_32 = arith.constant 0 : index
      %get3A_33 = arith.constant 0 : index
      %get3A_34 = vector.load %arg1[%get3A_32, %get3A_33] : memref<512x768xf32, #tpu.memory_space<vmem>>, vector<512x768xf32>
      %broadcast_in_dim3A = vector.shape_cast %gt3A_31 : vector<512x1xi1> to vector<512x1xi1>
      %broadcast_in_dim3A_35 = vector.broadcast %broadcast_in_dim3A : vector<512x1xi1> to vector<512x768xi1>
      %select_n3A = arith.select %broadcast_in_dim3A_35, %get3A_34, %dot_general3A_26 : vector<512x768xi1>, vector<512x768xf32>
      %convert_element_type3A_36 = arith.truncf %select_n3A : vector<512x768xf32> to vector<512x768xbf16>
      %get3A_37 = arith.constant 0 : index
      %get3A_38 = arith.constant 0 : index
      %get3A_39 = arith.constant 0 : index
      %get3A_40 = vector.load %arg7[%get3A_37, %get3A_38, %get3A_39] : memref<1x768x768xbf16, #tpu.memory_space<vmem>>, vector<1x768x768xbf16>
      %get3A_41 = vector.shape_cast %get3A_40 : vector<1x768x768xbf16> to vector<768x768xbf16>
      %dot_general3A_42 = arith.constant dense<0.000000e+00> : vector<512x768xf32>
      %dot_general3A_43 = tpu.matmul %convert_element_type3A_36, %get3A_41, %dot_general3A_42 {dimension_numbers = #tpu.dot_dimension_numbers<[1], [0], [0], [1], [0, 0, 1, 1], [], []>, transpose_lhs_hint = false} : vector<512x768xbf16>, vector<768x768xbf16>, vector<512x768xf32> -> vector<512x768xf32>
      %get3A_44 = arith.constant 0 : index
      %get3A_45 = arith.constant 0 : index
      %get3A_46 = arith.constant 0 : index
      %get3A_47 = vector.load %arg8[%get3A_44, %get3A_45, %get3A_46] : memref<1x1x768xf32, #tpu.memory_space<vmem>>, vector<1x1x768xf32>
      %get3A_48 = vector.shape_cast %get3A_47 : vector<1x1x768xf32> to vector<1x768xf32>
      %add3A_49 = vector.broadcast %get3A_48 : vector<1x768xf32> to vector<512x768xf32>
      %add3A_50 = arith.addf %dot_general3A_43, %add3A_49 : vector<512x768xf32>
      %reduce_sum3A = arith.constant dense<0.000000e+00> : vector<512xf32>
      %reduce_sum3A_51 = vector.multi_reduction <add>, %add3A_50, %reduce_sum3A [1] : vector<512x768xf32> to vector<512xf32>
      %broadcast_in_dim3A_52 = vector.shape_cast %reduce_sum3A_51 : vector<512xf32> to vector<512x1xf32>
      %div3A = arith.constant 7.680000e+02 : f32
      %div3A_53 = vector.broadcast %div3A : f32 to vector<512x1xf32>
      %div3A_54 = arith.divf %broadcast_in_dim3A_52, %div3A_53 : vector<512x1xf32>
      %sub3A = vector.broadcast %div3A_54 : vector<512x1xf32> to vector<512x768xf32>
      %sub3A_55 = arith.subf %add3A_50, %sub3A : vector<512x768xf32>
      %integer_pow3A = arith.mulf %sub3A_55, %sub3A_55 : vector<512x768xf32>
      %reduce_sum3A_56 = arith.constant dense<0.000000e+00> : vector<512xf32>
      %reduce_sum3A_57 = vector.multi_reduction <add>, %integer_pow3A, %reduce_sum3A_56 [1] : vector<512x768xf32> to vector<512xf32>
      %broadcast_in_dim3A_58 = vector.shape_cast %reduce_sum3A_57 : vector<512xf32> to vector<512x1xf32>
      %div3A_59 = arith.constant 7.680000e+02 : f32
      %div3A_60 = vector.broadcast %div3A_59 : f32 to vector<512x1xf32>
      %div3A_61 = arith.divf %broadcast_in_dim3A_58, %div3A_60 : vector<512x1xf32>
      %sub3A_62 = vector.broadcast %div3A_54 : vector<512x1xf32> to vector<512x768xf32>
      %sub3A_63 = arith.subf %add3A_50, %sub3A_62 : vector<512x768xf32>
      %add3A_64 = arith.constant 9.99999997E-7 : f32
      %add3A_65 = vector.broadcast %add3A_64 : f32 to vector<512x1xf32>
      %add3A_66 = arith.addf %div3A_61, %add3A_65 : vector<512x1xf32>
      %rsqrt3A = math.rsqrt %add3A_66 : vector<512x1xf32>
      %mul3A_67 = vector.broadcast %rsqrt3A : vector<512x1xf32> to vector<512x768xf32>
      %mul3A_68 = arith.mulf %sub3A_63, %mul3A_67 : vector<512x768xf32>
      %get3A_69 = arith.constant 0 : index
      %get3A_70 = arith.constant 0 : index
      %get3A_71 = arith.constant 0 : index
      %get3A_72 = vector.load %arg9[%get3A_69, %get3A_70, %get3A_71] : memref<1x1x768xf32, #tpu.memory_space<vmem>>, vector<1x1x768xf32>
      %get3A_73 = vector.shape_cast %get3A_72 : vector<1x1x768xf32> to vector<1x768xf32>
      %mul3A_74 = vector.broadcast %get3A_73 : vector<1x768xf32> to vector<512x768xf32>
      %mul3A_75 = arith.mulf %mul3A_68, %mul3A_74 : vector<512x768xf32>
      %get3A_76 = arith.constant 0 : index
      %get3A_77 = arith.constant 0 : index
      %get3A_78 = arith.constant 0 : index
      %get3A_79 = vector.load %arg10[%get3A_76, %get3A_77, %get3A_78] : memref<1x1x768xf32, #tpu.memory_space<vmem>>, vector<1x1x768xf32>
      %get3A_80 = vector.shape_cast %get3A_79 : vector<1x1x768xf32> to vector<1x768xf32>
      %add3A_81 = vector.broadcast %get3A_80 : vector<1x768xf32> to vector<512x768xf32>
      %add3A_82 = arith.addf %mul3A_75, %add3A_81 : vector<512x768xf32>
      %max3A = arith.constant 0.000000e+00 : f32
      %max3A_83 = vector.broadcast %max3A : f32 to vector<512x768xf32>
      %max3A_84 = arith.maximumf %add3A_82, %max3A_83 : vector<512x768xf32>
      %convert_element_type3A_85 = arith.truncf %max3A_84 : vector<512x768xf32> to vector<512x768xbf16>
      %get3A_86 = arith.constant 0 : index
      %get3A_87 = arith.constant 0 : index
      %get3A_88 = arith.constant 0 : index
      %get3A_89 = vector.load %arg11[%get3A_86, %get3A_87, %get3A_88] : memref<1x768x768xbf16, #tpu.memory_space<vmem>>, vector<1x768x768xbf16>
      %get3A_90 = vector.shape_cast %get3A_89 : vector<1x768x768xbf16> to vector<768x768xbf16>
      %dot_general3A_91 = arith.constant dense<0.000000e+00> : vector<512x768xf32>
      %dot_general3A_92 = tpu.matmul %convert_element_type3A_85, %get3A_90, %dot_general3A_91 {dimension_numbers = #tpu.dot_dimension_numbers<[1], [0], [0], [1], [0, 0, 1, 1], [], []>, transpose_lhs_hint = false} : vector<512x768xbf16>, vector<768x768xbf16>, vector<512x768xf32> -> vector<512x768xf32>
      %get3A_93 = arith.constant 0 : index
      %get3A_94 = arith.constant 0 : index
      %get3A_95 = vector.load %arg2[%get3A_93, %get3A_94] : memref<512x1xf32, #tpu.memory_space<vmem>>, vector<512x1xf32>
      %get3A_96 = arith.constant 0 : index
      %get3A_97 = arith.constant 0 : index
      %get3A_98 = arith.constant 0 : index
      %get3A_99 = vector.load %arg12[%get3A_96, %get3A_97, %get3A_98] : memref<1x1x768xf32, #tpu.memory_space<vmem>>, vector<1x1x768xf32>
      %get3A_100 = vector.shape_cast %get3A_99 : vector<1x1x768xf32> to vector<1x768xf32>
      %add3A_101 = vector.broadcast %get3A_100 : vector<1x768xf32> to vector<512x768xf32>
      %add3A_102 = arith.addf %dot_general3A_92, %add3A_101 : vector<512x768xf32>
      %mul3A_103 = vector.broadcast %get3A_95 : vector<512x1xf32> to vector<512x768xf32>
      %mul3A_104 = arith.mulf %add3A_102, %mul3A_103 : vector<512x768xf32>
      %swap3A = arith.constant 0 : index
      %swap3A_105 = arith.constant 0 : index
      %swap3A_106 = vector.load %arg13[%swap3A, %swap3A_105] : memref<512x768xf32, #tpu.memory_space<vmem>>, vector<512x768xf32>
      tpu.vector_store %arg13[%swap3A, %swap3A_105], %mul3A_104 {strides = array<i32>} : memref<512x768xf32, #tpu.memory_space<vmem>>, vector<512x768xf32>,
      %gt3A_107 = arith.constant 0.000000e+00 : f32
      %gt3A_108 = vector.broadcast %gt3A_107 : f32 to vector<512x1xf32>
      %gt3A_109 = arith.cmpf ogt, %get3A_95, %gt3A_108 : vector<512x1xf32>
      %jit3A = arith.constant 0.000000e+00 : f32
      %broadcast_in_dim3A_110 = vector.shape_cast %gt3A_109 : vector<512x1xi1> to vector<512x1xi1>
      %broadcast_in_dim3A_111 = vector.broadcast %broadcast_in_dim3A_110 : vector<512x1xi1> to vector<512x768xi1>
      %broadcast_in_dim3A_112 = vector.broadcast %jit3A : f32 to vector<512x768xf32>
      %select_n3A_113 = arith.select %broadcast_in_dim3A_111, %mul3A_104, %broadcast_in_dim3A_112 : vector<512x768xi1>, vector<512x768xf32>
      %convert_element_type3A_114 = arith.truncf %select_n3A_113 : vector<512x768xf32> to vector<512x768xbf16>
      %swap3A_115 = arith.constant 0 : index
      %swap3A_116 = arith.constant 0 : index
      %swap3A_117 = vector.load %arg14[%swap3A_115, %swap3A_116] : memref<512x768xbf16, #tpu.memory_space<vmem>>, vector<512x768xbf16>
      tpu.vector_store %arg14[%swap3A_115, %swap3A_116], %convert_element_type3A_114 {strides = array<i32>} : memref<512x768xbf16, #tpu.memory_space<vmem>>, vector<512x768xbf16>,
    } else {
    }
    %eq3A = arith.constant 8 : i32
    %eq3A_2 = arith.cmpi eq, %arg0, %eq3A : i32
    %convert_element_type3A_3 = arith.extui %eq3A_2 : i1 to i32
    %cond3A_4 = arith.constant 0 : i32
    %cond3A_5 = arith.cmpi ne, %convert_element_type3A_3, %cond3A_4 : i32
    scf.if %cond3A_5 {
      %broadcast_in_dim3A = arith.constant 0.000000e+00 : f32
      %broadcast_in_dim3A_6 = vector.broadcast %broadcast_in_dim3A : f32 to vector<512x768xf32>
      %swap3A = arith.constant 0 : index
      %swap3A_7 = arith.constant 0 : index
      %swap3A_8 = vector.load %arg13[%swap3A, %swap3A_7] : memref<512x768xf32, #tpu.memory_space<vmem>>, vector<512x768xf32>
      tpu.vector_store %arg13[%swap3A, %swap3A_7], %broadcast_in_dim3A_6 {strides = array<i32>} : memref<512x768xf32, #tpu.memory_space<vmem>>, vector<512x768xf32>,
      %broadcast_in_dim3A_9 = arith.constant 0.000000e+00 : bf16
      %broadcast_in_dim3A_10 = vector.broadcast %broadcast_in_dim3A_9 : bf16 to vector<512x768xbf16>
      %swap3A_11 = arith.constant 0 : index
      %swap3A_12 = arith.constant 0 : index
      %swap3A_13 = vector.load %arg14[%swap3A_11, %swap3A_12] : memref<512x768xbf16, #tpu.memory_space<vmem>>, vector<512x768xbf16>
      tpu.vector_store %arg14[%swap3A_11, %swap3A_12], %broadcast_in_dim3A_10 {strides = array<i32>} : memref<512x768xbf16, #tpu.memory_space<vmem>>, vector<512x768xbf16>,
    } else {
    }
    return
  }
  func.func @transform_0(%arg0: i32) -> (i32, i32) {
    %c0_i32 = arith.constant 0 : i32
    %c0_i32_0 = arith.constant 0 : i32
    return %arg0, %c0_i32 : i32, i32
  }
  func.func @transform_1(%arg0: i32) -> (i32, i32) {
    %c0_i32 = arith.constant 0 : i32
    %c0_i32_0 = arith.constant 0 : i32
    return %arg0, %c0_i32 : i32, i32
  }
  func.func @transform_2(%arg0: i32) -> (i32, i32) {
    %c0_i32 = arith.constant 0 : i32
    %c0_i32_0 = arith.constant 0 : i32
    return %arg0, %c0_i32 : i32, i32
  }
  func.func @transform_3(%arg0: i32) -> (i32, i32) {
    %c0_i32 = arith.constant 0 : i32
    %c0_i32_0 = arith.constant 0 : i32
    %c0_i32_1 = arith.constant 0 : i32
    return %c0_i32, %c0_i32_0 : i32, i32
  }
  func.func @transform_4(%arg0: i32) -> (i32, i32) {
    %c0_i32 = arith.constant 0 : i32
    %c0_i32_0 = arith.constant 0 : i32
    %c0_i32_1 = arith.constant 0 : i32
    return %c0_i32, %c0_i32_0 : i32, i32
  }
  func.func @transform_5(%arg0: i32) -> (i32, i32) {
    %c0_i32 = arith.constant 0 : i32
    %c0_i32_0 = arith.constant 0 : i32
    %c0_i32_1 = arith.constant 0 : i32
    return %c0_i32, %c0_i32_0 : i32, i32
  }
  func.func @transform_6(%arg0: i32) -> (i32, i32, i32) {
    %min3A = arith.constant 7 : i32
    %min3A_0 = arith.minsi %arg0, %min3A : i32
    %c0_i32 = arith.constant 0 : i32
    %c0_i32_1 = arith.constant 0 : i32
    %c0_i32_2 = arith.constant 0 : i32
    return %min3A_0, %c0_i32, %c0_i32_1 : i32, i32, i32
  }
  func.func @transform_7(%arg0: i32) -> (i32, i32, i32) {
    %min3A = arith.constant 7 : i32
    %min3A_0 = arith.minsi %arg0, %min3A : i32
    %c0_i32 = arith.constant 0 : i32
    %c0_i32_1 = arith.constant 0 : i32
    %c0_i32_2 = arith.constant 0 : i32
    return %min3A_0, %c0_i32, %c0_i32_1 : i32, i32, i32
  }
  func.func @transform_8(%arg0: i32) -> (i32, i32, i32) {
    %min3A = arith.constant 7 : i32
    %min3A_0 = arith.minsi %arg0, %min3A : i32
    %c0_i32 = arith.constant 0 : i32
    %c0_i32_1 = arith.constant 0 : i32
    %c0_i32_2 = arith.constant 0 : i32
    return %min3A_0, %c0_i32, %c0_i32_1 : i32, i32, i32
  }
  func.func @transform_9(%arg0: i32) -> (i32, i32, i32) {
    %min3A = arith.constant 7 : i32
    %min3A_0 = arith.minsi %arg0, %min3A : i32
    %c0_i32 = arith.constant 0 : i32
    %c0_i32_1 = arith.constant 0 : i32
    %c0_i32_2 = arith.constant 0 : i32
    return %min3A_0, %c0_i32, %c0_i32_1 : i32, i32, i32
  }
  func.func @transform_10(%arg0: i32) -> (i32, i32, i32) {
    %min3A = arith.constant 7 : i32
    %min3A_0 = arith.minsi %arg0, %min3A : i32
    %c0_i32 = arith.constant 0 : i32
    %c0_i32_1 = arith.constant 0 : i32
    %c0_i32_2 = arith.constant 0 : i32
    return %min3A_0, %c0_i32, %c0_i32_1 : i32, i32, i32
  }
  func.func @transform_11(%arg0: i32) -> (i32, i32, i32) {
    %min3A = arith.constant 7 : i32
    %min3A_0 = arith.minsi %arg0, %min3A : i32
    %c0_i32 = arith.constant 0 : i32
    %c0_i32_1 = arith.constant 0 : i32
    %c0_i32_2 = arith.constant 0 : i32
    return %min3A_0, %c0_i32, %c0_i32_1 : i32, i32, i32
  }
  func.func @transform_12(%arg0: i32) -> (i32, i32) {
    %c0_i32 = arith.constant 0 : i32
    %c0_i32_0 = arith.constant 0 : i32
    return %arg0, %c0_i32 : i32, i32
  }
  func.func @transform_13(%arg0: i32) -> (i32, i32) {
    %c0_i32 = arith.constant 0 : i32
    %c0_i32_0 = arith.constant 0 : i32
    return %arg0, %c0_i32 : i32, i32
  }
}

module attributes {stable_mosaic.version = 14 : i64} {
  func.func @_k4t_body(%arg0: i32, %arg1: memref<512x1xi32, #tpu.memory_space<vmem>>, %arg2: memref<512x1xi32, #tpu.memory_space<vmem>>, %arg3: memref<512x768xf32, #tpu.memory_space<vmem>>, %arg4: memref<4608x768xbf16, #tpu.memory_space<vmem>>, %arg5: memref<512x768xf32, #tpu.memory_space<vmem>>) attributes {dimension_semantics = [#tpu.dimension_semantics<arbitrary>], iteration_bounds = array<i64: 2>, scalar_prefetch = 0 : i64, scratch_operands = 0 : i64, tpu.core_type = #tpu.core_type<tc>, window_params = [{transform_indices = @transform_0, window_bounds = array<i64: 512, 1>}, {transform_indices = @transform_1, window_bounds = array<i64: 512, 1>}, {transform_indices = @transform_2, window_bounds = array<i64: 512, 768>}, {pipeline_mode = #tpu.pipeline_mode<synchronous>, transform_indices = @transform_3, window_bounds = array<i64: 4608, 768>}, {transform_indices = @transform_4, window_bounds = array<i64: 512, 768>}]} {
    %iota3A = tpu.iota {dimensions = array<i32: 1>} : vector<512x4608xi32>
    %get3A = arith.constant 0 : index
    %get3A_0 = arith.constant 0 : index
    %get3A_1 = vector.load %arg1[%get3A, %get3A_0] : memref<512x1xi32, #tpu.memory_space<vmem>>, vector<512x1xi32>
    %eq3A = vector.broadcast %get3A_1 : vector<512x1xi32> to vector<512x4608xi32>
    %eq3A_2 = arith.cmpi eq, %iota3A, %eq3A : vector<512x4608xi32>
    %get3A_3 = arith.constant 0 : index
    %get3A_4 = arith.constant 0 : index
    %get3A_5 = vector.load %arg2[%get3A_3, %get3A_4] : memref<512x1xi32, #tpu.memory_space<vmem>>, vector<512x1xi32>
    %eq3A_6 = vector.broadcast %get3A_5 : vector<512x1xi32> to vector<512x4608xi32>
    %eq3A_7 = arith.cmpi eq, %iota3A, %eq3A_6 : vector<512x4608xi32>
    %or3A = arith.ori %eq3A_2, %eq3A_7 : vector<512x4608xi1>
    %convert_element_type3A = arith.extui %or3A : vector<512x4608xi1> to vector<512x4608xi32>
    %convert_element_type3A_8 = arith.sitofp %convert_element_type3A : vector<512x4608xi32> to vector<512x4608xf32>
    %convert_element_type3A_9 = arith.truncf %convert_element_type3A_8 : vector<512x4608xf32> to vector<512x4608xbf16>
    %get3A_10 = arith.constant 0 : index
    %get3A_11 = arith.constant 0 : index
    %get3A_12 = vector.load %arg4[%get3A_10, %get3A_11] : memref<4608x768xbf16, #tpu.memory_space<vmem>>, vector<4608x768xbf16>
    %dot_general3A = arith.constant dense<0.000000e+00> : vector<512x768xf32>
    %dot_general3A_13 = tpu.matmul %convert_element_type3A_9, %get3A_12, %dot_general3A {dimension_numbers = #tpu.dot_dimension_numbers<[1], [0], [0], [1], [0, 0, 1, 1], [], []>, transpose_lhs_hint = false} : vector<512x4608xbf16>, vector<4608x768xbf16>, vector<512x768xf32> -> vector<512x768xf32>
    %get3A_14 = arith.constant 0 : index
    %get3A_15 = arith.constant 0 : index
    %get3A_16 = vector.load %arg3[%get3A_14, %get3A_15] : memref<512x768xf32, #tpu.memory_space<vmem>>, vector<512x768xf32>
    %add3A = arith.addf %get3A_16, %dot_general3A_13 : vector<512x768xf32>
    %swap3A = arith.constant 0 : index
    %swap3A_17 = arith.constant 0 : index
    %swap3A_18 = vector.load %arg5[%swap3A, %swap3A_17] : memref<512x768xf32, #tpu.memory_space<vmem>>, vector<512x768xf32>
    tpu.vector_store %arg5[%swap3A, %swap3A_17], %add3A {strides = array<i32>} : memref<512x768xf32, #tpu.memory_space<vmem>>, vector<512x768xf32>,
    return
  }
  func.func @transform_0(%arg0: i32) -> (i32, i32) {
    %add3A = arith.constant 2 : i32
    %add3A_0 = arith.addi %add3A, %arg0 : i32
    %c0_i32 = arith.constant 0 : i32
    %c0_i32_1 = arith.constant 0 : i32
    return %add3A_0, %c0_i32 : i32, i32
  }
  func.func @transform_1(%arg0: i32) -> (i32, i32) {
    %add3A = arith.constant 2 : i32
    %add3A_0 = arith.addi %add3A, %arg0 : i32
    %c0_i32 = arith.constant 0 : i32
    %c0_i32_1 = arith.constant 0 : i32
    return %add3A_0, %c0_i32 : i32, i32
  }
  func.func @transform_2(%arg0: i32) -> (i32, i32) {
    %add3A = arith.constant 2 : i32
    %add3A_0 = arith.addi %add3A, %arg0 : i32
    %c0_i32 = arith.constant 0 : i32
    %c0_i32_1 = arith.constant 0 : i32
    return %add3A_0, %c0_i32 : i32, i32
  }
  func.func @transform_3(%arg0: i32) -> (i32, i32) {
    %c0_i32 = arith.constant 0 : i32
    %c0_i32_0 = arith.constant 0 : i32
    %c0_i32_1 = arith.constant 0 : i32
    return %c0_i32, %c0_i32_0 : i32, i32
  }
  func.func @transform_4(%arg0: i32) -> (i32, i32) {
    %c0_i32 = arith.constant 0 : i32
    %c0_i32_0 = arith.constant 0 : i32
    return %arg0, %c0_i32 : i32, i32
  }
}

module attributes {stable_mosaic.version = 14 : i64} {
  func.func @_k5_body(%arg0: i32, %arg1: memref<256x768xf32, #tpu.memory_space<vmem>>, %arg2: memref<256x768xf32, #tpu.memory_space<vmem>>, %arg3: memref<256x768xf32, #tpu.memory_space<vmem>>, %arg4: memref<256x768xf32, #tpu.memory_space<vmem>>) attributes {dimension_semantics = [#tpu.dimension_semantics<arbitrary>], iteration_bounds = array<i64: 8>, scalar_prefetch = 0 : i64, scratch_operands = 0 : i64, tpu.core_type = #tpu.core_type<tc>, window_params = [{transform_indices = @transform_0, window_bounds = array<i64: 256, 768>}, {transform_indices = @transform_1, window_bounds = array<i64: 256, 768>}, {transform_indices = @transform_2, window_bounds = array<i64: 256, 768>}, {transform_indices = @transform_3, window_bounds = array<i64: 256, 768>}]} {
    %lt3A = arith.constant 4 : i32
    %lt3A_0 = arith.cmpi slt, %arg0, %lt3A : i32
    %convert_element_type3A = arith.extui %lt3A_0 : i1 to i32
    %cond3A = arith.constant 0 : i32
    %cond3A_1 = arith.cmpi ne, %convert_element_type3A, %cond3A : i32
    scf.if %cond3A_1 {
      %get3A = arith.constant 0 : index
      %get3A_6 = arith.constant 0 : index
      %get3A_7 = vector.load %arg1[%get3A, %get3A_6] : memref<256x768xf32, #tpu.memory_space<vmem>>, vector<256x768xf32>
      %get3A_8 = arith.constant 0 : index
      %get3A_9 = arith.constant 0 : index
      %get3A_10 = vector.load %arg2[%get3A_8, %get3A_9] : memref<256x768xf32, #tpu.memory_space<vmem>>, vector<256x768xf32>
      %add3A = arith.addf %get3A_7, %get3A_10 : vector<256x768xf32>
      %swap3A = arith.constant 0 : index
      %swap3A_11 = arith.constant 0 : index
      %swap3A_12 = vector.load %arg4[%swap3A, %swap3A_11] : memref<256x768xf32, #tpu.memory_space<vmem>>, vector<256x768xf32>
      tpu.vector_store %arg4[%swap3A, %swap3A_11], %add3A {strides = array<i32>} : memref<256x768xf32, #tpu.memory_space<vmem>>, vector<256x768xf32>,
    } else {
    }
    %ge3A = arith.constant 4 : i32
    %ge3A_2 = arith.cmpi sge, %arg0, %ge3A : i32
    %convert_element_type3A_3 = arith.extui %ge3A_2 : i1 to i32
    %cond3A_4 = arith.constant 0 : i32
    %cond3A_5 = arith.cmpi ne, %convert_element_type3A_3, %cond3A_4 : i32
    scf.if %cond3A_5 {
      %get3A = arith.constant 0 : index
      %get3A_6 = arith.constant 0 : index
      %get3A_7 = vector.load %arg3[%get3A, %get3A_6] : memref<256x768xf32, #tpu.memory_space<vmem>>, vector<256x768xf32>
      %swap3A = arith.constant 0 : index
      %swap3A_8 = arith.constant 0 : index
      %swap3A_9 = vector.load %arg4[%swap3A, %swap3A_8] : memref<256x768xf32, #tpu.memory_space<vmem>>, vector<256x768xf32>
      tpu.vector_store %arg4[%swap3A, %swap3A_8], %get3A_7 {strides = array<i32>} : memref<256x768xf32, #tpu.memory_space<vmem>>, vector<256x768xf32>,
    } else {
    }
    return
  }
  func.func @transform_0(%arg0: i32) -> (i32, i32) {
    %c0_i32 = arith.constant 0 : i32
    %c0_i32_0 = arith.constant 0 : i32
    return %arg0, %c0_i32 : i32, i32
  }
  func.func @transform_1(%arg0: i32) -> (i32, i32) {
    %min3A = arith.constant 3 : i32
    %min3A_0 = arith.minsi %arg0, %min3A : i32
    %c0_i32 = arith.constant 0 : i32
    %c0_i32_1 = arith.constant 0 : i32
    return %min3A_0, %c0_i32 : i32, i32
  }
  func.func @transform_2(%arg0: i32) -> (i32, i32) {
    %sub3A = arith.constant 4 : i32
    %sub3A_0 = arith.subi %arg0, %sub3A : i32
    %max3A = arith.constant 0 : i32
    %max3A_1 = arith.maxsi %sub3A_0, %max3A : i32
    %c0_i32 = arith.constant 0 : i32
    %c0_i32_2 = arith.constant 0 : i32
    return %max3A_1, %c0_i32 : i32, i32
  }
  func.func @transform_3(%arg0: i32) -> (i32, i32) {
    %c0_i32 = arith.constant 0 : i32
    %c0_i32_0 = arith.constant 0 : i32
    return %arg0, %c0_i32 : i32, i32
  }
}

</mosaic_0001>

<sc_bundles>
// kernel: kernel.12.cloned.1.call-start
scs
__scs_entry_jumppad:
0x0: {  	(pc) =	sbr.rel $0x88, $3  }
0x1: {  	(tag) =	ssettag $0x0;
	lr =	simm.s32 $0x1  }
0x2: {  	[smem:$0x3F96] =	sst lr;
	_ =	strace $0xD0000000  }
0x3: {  	_ = 	snop  }
0x4: {  	_ = 	snop  }
0x5: {  	_ = 	snop  }
0x6: {  	_ = 	snop  }
0x7: {  	_ = 	snop  }
__scs_overlays_trampoline_lowered:
0x8: {  	[smem:$0x3FA5] =	sst s0  }
0x9: {  	[smem:$0x3FA6] =	sst s1  }
0xa: {  	[smem:$0x3FA7] =	sst s2  }
0xb: {  	[smem:$0x3FA8] =	sst s3  }
0xc: {  	[smem:$0x3FA9] =	sst s4  }
0xd: {  	[smem:$0x3FAA] =	sst s5  }
0xe: {  	[smem:$0x3FAB] =	sst s6  }
0xf: {  	[smem:$0x3FAC] =	sst s7  }
0x10: {  	[smem:$0x3FAD] =	sst s8  }
0x11: {  	[smem:$0x3FAE] =	sst s9;
	s0 =	simm.s32 @!p0 $0x0  }
0x12: {  	s1 =	sld [smem:$0x3F94];
	s0 =	simm.s32 @p0 $0x1  }
0x13: {  	[smem:$0x3FAF] =	sst s0;
	s0 =	simm.s32 @!p1 $0x0  }
0x14: {  	s2 =	sld [smem:$0x3F93];
	s0 =	simm.s32 @p1 $0x1  }
0x15: {  	[smem:$0x3FB0] =	sst s0;
	s0 =	simm.s32 @!p2 $0x0  }
0x16: {  	s3 =	sld [smem:$0x3FDB];
	s0 =	simm.s32 @p2 $0x1  }
0x17: {  	s4 =	simm.s32 $0x1BF5;
	[smem:$0x3FB2] =	sst s0  }
0x18: {  	s0 =	sld [smem:$0x3F95];
	_ =	swait.ge [sflag:s4], $0x0  }
0x19: {  	s7 =	sld [smem:$0x3F96]  }
0x1a: {  	s8 =	sadd.s32 $0xFFFFE003, lr  }
0x1b: {  	s9 =	sadd.s32 $0xFFFFFEF7, lr;
	s5 =	simm.s32 $0xFFFFFFFF;
	p2 =	slt.u32 s8, $0xFFFFF086  }
0x1c: {  	p1 =	slt.u32 s9, $0xF7A;
	s5 =	simm.s32 @!p2 $0x0  }
0x1d: {  	s5 =	simm.s32 @p1 $0x1;
	p0 =	seq.s32 s7, s2  }
0x1e: {  	s7 =	smul.u32 @!p0 $0xF7A, s2;
	p2 =	seq.s32 @!p0 s5, $0x0  }
0x1f: {  	s9 =	smul.u32 $0xF7A, s1;
	s8 =	simm.s32 @!p0 $0x1BF5;
	p2 =	por !p2, p0  }
0x20: {  	[sflag:s8] =	ssyncset.s32 @!p0 $0xFFFFF086;
	s6 =	sadd.s32 @!p0 s3, s7;
	s7 =	simm.s32 @!p0 $0x108  }
0x21: {  	s3 =	sadd.s32 s3, s9;
	s6 =	sadd.s32 @!p0 $0x88, s6;
	s7 =	simm.s32 @p2 $0x1082  }
0x22: {  	[simem:s7], [sflag:s8] =	dma.local @!p0 [hbm:s6], $0xF7A  }
0x23: {  	s9 =	sor.u32 $0xD0000000, s2;
	s6 =	simm.s32 $0x108;
	_ =	swait.ge @!p0 [sflag:s8], $0x0  }
0x24: {  	s3 =	sadd.s32 $0x88, s3;
	s6 =	simm.s32 @!p1 $0x1082;
	[sflag:s4] =	ssyncset.s32 $0xFFFFF086  }
0x25: {  	[simem:s6], [sflag:s4] =	dma.local [hbm:s3], $0xF7A  }
0x26: {  	[smem:$0x3F96] =	sst s1;
	(tag) =	ssettag s2;
	_ =	strace s9  }
0x27: {  	s1 =	sld [smem:$0x3FA6]  }
0x28: {  	s2 =	sld [smem:$0x3FA7]  }
0x29: {  	s4 =	sld [smem:$0x3FA9]  }
0x2a: {  	p0 =	seq.s32 s5, $0x0;
	s5 =	sld [smem:$0x3FAA]  }
0x2b: {  	s6 =	sld [smem:$0x3FAB]  }
0x2c: {  	s7 =	sld [smem:$0x3FAC]  }
0x2d: {  	s3 =	simm.s32 $0x108;
	s8 =	sld [smem:$0x3FAD]  }
0x2e: {  	s3 =	simm.s32 @!p0 $0x1082;
	s9 =	sld [smem:$0x3FAE]  }
0x2f: {  	lr =	sadd.s32 s0, s3;
	s0 =	sld [smem:$0x3FA5]  }
0x30: {  	s3 =	sld [smem:$0x3FA8]  }
0x31: {  	[smem:$0x3FB1] =	sst s10  }
0x32: {  	s10 =	sld [smem:$0x3FAF];
	_ =	sdelay $0x3  }
0x33: {  	p0 =	seq.s32 s10, $0x1;
	s10 =	sld [smem:$0x3FB1];
	_ =	sdelay $0x3  }
0x34: {  	[smem:$0x3FB1] =	sst s10  }
0x35: {  	s10 =	sld [smem:$0x3FB0];
	_ =	sdelay $0x3  }
0x36: {  	p1 =	seq.s32 s10, $0x1;
	s10 =	sld [smem:$0x3FB1];
	_ =	sdelay $0x3  }
0x37: {  	[smem:$0x3FB1] =	sst s10  }
0x38: {  	s10 =	sld [smem:$0x3FB2]  }
0x39: {  	_ = 	snop;
	(pc) =	sbr.ind lr, $3  }
0x3a: {  	_ = 	snop  }
0x3b: {  	_ = 	snop  }
0x3c: {  	p2 =	seq.s32 s10, $0x1;
	s10 =	sld [smem:$0x3FB1]  }
0x3d: {  	_ =	shalt  }
0x3e: {  	_ =	shalt  }
0x3f: {  	_ =	shalt  }
0x40: {  	_ =	shalt  }
0x41: {  	_ =	shalt  }
0x42: {  	_ =	shalt  }
0x43: {  	_ =	shalt  }
0x44: {  	_ =	shalt  }
0x45: {  	_ =	shalt  }
0x46: {  	_ =	shalt  }
0x47: {  	_ =	shalt  }
0x48: {  	_ =	shalt  }
0x49: {  	_ =	shalt  }
0x4a: {  	_ =	shalt  }
0x4b: {  	_ =	shalt  }
0x4c: {  	_ =	shalt  }
0x4d: {  	_ =	shalt  }
0x4e: {  	_ =	shalt  }
0x4f: {  	_ =	shalt  }
0x50: {  	_ =	shalt  }
0x51: {  	_ =	shalt  }
0x52: {  	_ =	shalt  }
0x53: {  	_ =	shalt  }
0x54: {  	_ =	shalt  }
0x55: {  	_ =	shalt  }
0x56: {  	_ =	shalt  }
0x57: {  	_ =	shalt  }
0x58: {  	_ =	shalt  }
0x59: {  	_ =	shalt  }
0x5a: {  	_ =	shalt  }
0x5b: {  	_ =	shalt  }
0x5c: {  	_ =	shalt  }
0x5d: {  	_ =	shalt  }
0x5e: {  	_ =	shalt  }
0x5f: {  	_ =	shalt  }
0x60: {  	_ =	shalt  }
0x61: {  	_ =	shalt  }
0x62: {  	_ =	shalt  }
0x63: {  	_ =	shalt  }
0x64: {  	_ =	shalt  }
0x65: {  	_ =	shalt  }
0x66: {  	_ =	shalt  }
0x67: {  	_ =	shalt  }
0x68: {  	_ =	shalt  }
0x69: {  	_ =	shalt  }
0x6a: {  	_ =	shalt  }
0x6b: {  	_ =	shalt  }
0x6c: {  	_ =	shalt  }
0x6d: {  	_ =	shalt  }
0x6e: {  	_ =	shalt  }
0x6f: {  	_ =	shalt  }
0x70: {  	_ =	shalt  }
0x71: {  	_ =	shalt  }
0x72: {  	_ =	shalt  }
0x73: {  	_ =	shalt  }
0x74: {  	_ =	shalt  }
0x75: {  	_ =	shalt  }
0x76: {  	_ =	shalt  }
0x77: {  	_ =	shalt  }
0x78: {  	_ =	shalt  }
0x79: {  	_ =	shalt  }
0x7a: {  	_ =	shalt  }
0x7b: {  	_ =	shalt  }
0x7c: {  	_ =	shalt  }
0x7d: {  	_ =	shalt  }
0x7e: {  	_ =	shalt  }
0x7f: {  	_ =	shalt  }
0x80: {  	_ =	shalt  }
0x81: {  	_ =	shalt  }
0x82: {  	_ =	shalt  }
0x83: {  	_ =	shalt  }
0x84: {  	_ =	shalt  }
0x85: {  	_ =	shalt  }
0x86: {  	_ =	shalt  }
0x87: {  	_ =	shalt  }
.Lfunc_end0:
.L_simem_size_0:
called_computation.1_lowered:
.L_overlay_start_0:
0x88: {  	s2 =	sld [smem:$0x3FD9]  }
0x89: {  	s3 =	sld [smem:$0x3FFE];
	_ =	sdelay $0x1  }
0x8a: {  	s1 =	srdreg.scid  }
0x8b: {  	s0 =	sand.u32 $0x1, s1  }
0x8c: {  	s17 =	sshll.u32 s0, $0xA;
	s2 =	sadd.s32 s3, s2  }
0x8d: {  	s2 =	sadd.s32 s2, s17  }
0x8e: {  	[smem:$0x3FBD] =	sst s2  }
0x8f: {  	_ = 	snop  }
0x90: {  	s2 =	sld [smem:$0x3FD0];
	(tm) =	ssettm $0x1  }
0x91: {  	s18 =	sld [smem:$0x3FFB];
	_ =	sdelay $0x3  }
0x92: {  	_ =	strace s18  }
0x93: {  	s3 =	sld [smem:$0x3FFC];
	_ =	sdelay $0x3  }
0x94: {  	_ =	strace s3  }
0x95: {  	s3 =	sld [smem:$0x3FFD];
	_ =	sdelay $0x3  }
0x96: {  	_ =	strace s3  }
0x97: {  	_ =	strace $0x8FFFFFFF  }
0x98: {  	s19 =	sld [smem:$0x3FDB];
	_ =	sdelay $0x1  }
0x99: {  	s4 =	simm.s32 $_scs_section_size  }
0x9a: {  	s5 =	simm.s32 $_size__tile_overlayer_lowered;
	s6 =	simm.s32 $_tile_overlayer_lowered  }
0x9b: {  	s22 =	simm.s32 $0x1BFF;
	s21 =	sshll.u32 s6, $0x1;
	s3 =	sadd.s32 s4, s19  }
0x9c: {  	s7 =	simm.s32 $0x0;
	s20 =	sshll.u32 s5, $0x1;
	s5 =	sadd.s32 s21, s3  }
0x9d: {  	[timem:s7], [sflag:s22] =	dma.local [hbm:s5], s20  }
0x9e: {  	_ =	swait.ge [sflag:s22], s20  }
0x9f: {  	s4 =	ssub.s32 $0x0, s20;
	[sflag:s22] =	ssyncset.done $0x0  }
0xa0: {  	[sflag:s22] =	ssyncadd.s32 s4;
	_ =	sdelay $0x1  }
0xa1: {  	s23 =	simm.s32 $0x1B8B  }
0xa2: {  	_ =	swait.ge [sflag:s23], $0x1  }
0xa3: {  	[sflag:s23] =	ssyncset.done $0x0  }
0xa4: {  	s25 =	simm.s32 $0x1B8E;
	s24 =	sld [smem:$0x3FFE];
	[sflag:s23] =	ssyncadd.s32 $0xFFFFFFFF  }
0xa5: {  	s26 =	simm.s32 $execute0_lowered;
	[smem:$0x3FD2] =	sst s25  }
0xa6: {  	s5 =	sshll.u32 s26, $0x1;
	_ =	strace $0x80000049;
	[dreg:$0x1] =	wrdreg $0xFFFFFFFF  }
0xa7: {  	s28 =	simm.s32 $_size_execute0_lowered;
	s3 =	sadd.s32 s3, s5;
	[dreg:$0x0] =	wrdreg $0x0  }
0xa8: {  	s5 =	sshll.u32 s28, $0x1;
	[dreg:$0x2] =	wrdreg s3  }
0xa9: {  	[dreg:$0x3] =	wrdreg s5  }
0xaa: {  	[dreg:$0x4] =	wrdreg $0xC0  }
0xab: {  	_ =	task [dreg:s7], $0x5FFFF  }
0xac: {  	[dreg:$0x1] =	wrdreg $0xFFFFFFFF  }
0xad: {  	[dreg:$0x0] =	wrdreg $0x60  }
0xae: {  	[dreg:$0x2] =	wrdreg s24  }
0xaf: {  	[dreg:$0x3] =	wrdreg s2  }
0xb0: {  	[dreg:$0x4] =	wrdreg $0x9  }
0xb1: {  	_ =	task.clear_ibuf [dreg:s7], $0x5FFFF;
	_ =	strace $0x90000049  }
0xb2: {  	s29 =	simm.s32 $0x9;
	_ =	strace $0x8000004B  }
0xb3: {  	_ =	swait.ge [sflag:s29], $0x1  }
0xb4: {  	[sflag:s29] =	ssyncadd.s32 $0xFFFFFFFF  }
0xb5: {  	_ =	strace $0x9000004B  }
0xb6: {  	_ =	sfence  }
0xb7: {  	s30 =	sld [smem:$0x0];
	_ =	sdelay $0x2  }
0xb8: {  	s31 =	sshll.u32 s1, $0xD;
	s1 =	sshrl.u32 s1, $0x2  }
0xb9: {  	s3 =	sand.u32 $0x4000, s31;
	s1 =	sadd.s32 s1, s30  }
0xba: {  	s0 =	sor.u32 s3, s0;
	s1 =	sshll.u32 s1, $0x11  }
0xbb: {  	s0 =	sor.u32 s1, s0  }
0xbc: {  	s0 =	sadd.s32 $0x8F2B, s0  }
0xbd: {  	[sflag:s0] =	ssyncadd.remote.s32 $0x1  }
0xbe: {  	_ =	sfence.sel $0xFFFF  }
0xbf: {  	[dreg:$0x0] =	wrdreg $0xFFFFFFFF;
	(pc) =	sbr.abs _section_cstart, $3  }
0xc0: {  	[dreg:$0x1] =	wrdreg $0xFFFFFFFF  }
0xc1: {  	_ =	task.clear_ibuf [dreg:s7], $0x2FFFF;
	_ =	strace $0x9FFFFFFF  }
0xc2: {  	(tm) =	ssettm $0x7FFFFFFF  }
0xc3: {  	_ =	shalt  }
tec
execute0_lowered:
.L_overlay_start_1:
0x0: {  	(tag) =	ssettag $0x1  }
0x1: {  	s0 =	rddreg [dreg:$0x0]  }
0x2: {  	s1 =	rddreg [dreg:$0x1]  }
0x3: {  	s3 =	srdreg.scid;
	s2 =	simm.s32 $0x0;
	s4 =	stileid.u32  }
0x4: {  	s10 =	simm.s32 $0x2;
	s12 =	simm.s32 $0x100;
	s22 =	simm.s32 $0x5100  }
0x5: {  	s23 =	simm.s32 $0x5900;
	s24 =	simm.s32 $0x1;
	s25 =	simm.s32 $0x6100  }
0x6: {  	s28 =	simm.s32 $0x7100;
	s29 =	simm.s32 $0x7900;
	s30 =	simm.s32 $0x8100  }
0x7: {  	s31 =	simm.s32 $0x8900;
	s11 =	simm.s32 $0xA100;
	s13 =	simm.s32 $0xA900  }
0x8: {  	s14 =	simm.s32 $0xB100;
	s15 =	simm.s32 $0xB900;
	s16 =	simm.s32 $0x0  }
0x9: {  	s3 =	sand.u32 $0x1, s3;
	[smem:$0x7FF] =	sst s2;
	s4 =	sshll.u32 s4, $0x3  }
0xa: {  	s5 =	sshll.u32 s3, $0x2;
	_ =	strace $0x8000004A;
	s26 =	ssub.s32 $0x2, s3  }
0xb: {  	s3 =	sadd.s32 $0xC1C00, s0;
	s5 =	sor.u32 s5, s4;
	s7 =	sshrl.u32 s26, $0x1  }
0xc: {  	s6 =	sadd.s32 s5, s0;
	s9 =	ssub.s32 s26, s7;
	s8 =	smul.u32 $0x300, s5  }
0xd: {  	v2 =	vlaneseq.u32;
	s7 =	sadd.s32 $0xC1E00, s0;
	s26 =	simm.s32 $0x6900;
	s4 =	sadd.s32 $0xD800, s6  }
0xe: {  	vm0 =	vmmov $0xffff;
	v1 =	vshrl.u32 v2, $0x3;
	s5 =	sadd.s32 $0xDA00, s6;
	s6 =	sadd.s32 $0xC1D00, s0;
	s9 =	smax.u32 s9, $0x1  }
0xf: {  	v0 =	vand.u32 $0x7, v2;
	v2 =	vor.u32 $0x8, v2;
	v1 =	vmul.u32 $0x8, v1;
	s0 =	simm.s32 $0x9100;
	s8 =	sadd.s32 s1, s8;
	s1 =	simm.s32 $0x9900  }
.LBB2_1:
0x10: {  	[tilespmem:s2], [sflag:$0x2] =	stream.linear.gather [hbm4b:s4+s2], $0x20, $0x38;
	[tilespmem:$0xC100] =	vst v63  }
0x11: {  	_ =	swait.ge [sflag:s10], $0x20  }
0x12: {  	[sflag:s10] =	ssyncset.done $0x0  }
0x13: {  	s17 =	simm.s32 $0x80;
	[sflag:s10] =	ssyncadd.s32 $0xFFFFFFE0  }
0x14: {  	[tilespmem:s17], [sflag:$0x2] =	stream.linear.gather [hbm4b:s5+s2], $0x20, $0x38;
	[tilespmem:$0xC100] =	vst v63  }
0x15: {  	_ =	swait.ge [sflag:s10], $0x20  }
0x16: {  	[sflag:s10] =	ssyncset.done $0x0  }
0x17: {  	[sflag:s10] =	ssyncadd.s32 $0xFFFFFFE0  }
0x18: {  	v3 =	vld [tilespmem:$0x0];
	_ =	sdelay $0x4  }
0x19: {  	v4 =	vshrl.u32 v3, $0x3  }
0x1a: {  	v4 =	vmul.u32 $0x30, v4  }
0x1b: {  	v3 =	vand.u32 $0x7, v3  }
0x1c: {  	v3 =	vor.u32 v3, v4  }
0x1d: {  	v4 =	vperm.xlane v3, v0;
	_ =	sdelay $0x1  }
0x1e: {  	v4 =	vadd.s32 v1, v4;
	_ =	sdelay $0x3  }
0x1f: {  	v3 =	vperm.xlane v3, v2  }
0x20: {  	[tilespmem:s12], [sflag:$0x1] =	stream.indirect_vreg.gather [hbm4b:s3+s2], $0x80, v4, vm0, $0xb8;
	[tilespmem:$0xC100] =	vst v63  }
0x21: {  	s20 =	simm.s32 $0x900;
	v3 =	vadd.s32 v1, v3  }
0x22: {  	[tilespmem:s20], [sflag:$0x1] =	stream.indirect_vreg.gather [hbm4b:s6+s2], $0x80, v4, vm0, $0xb8;
	[tilespmem:$0xC100] =	vst v63  }
0x23: {  	s21 =	simm.s32 $0x1100  }
0x24: {  	[tilespmem:s21], [sflag:$0x1] =	stream.indirect_vreg.gather [hbm4b:s7+s2], $0x80, v4, vm0, $0xb8;
	[tilespmem:$0xC100] =	vst v63  }
0x25: {  	s18 =	simm.s32 $0x1900  }
0x26: {  	[tilespmem:s18], [sflag:$0x1] =	stream.indirect_vreg.gather [hbm4b:s3+s2], $0x80, v3, vm0, $0xb8;
	[tilespmem:$0xC100] =	vst v63  }
0x27: {  	s19 =	simm.s32 $0x2100  }
0x28: {  	[tilespmem:s19], [sflag:$0x1] =	stream.indirect_vreg.gather [hbm4b:s6+s2], $0x80, v3, vm0, $0xb8;
	[tilespmem:$0xC100] =	vst v63  }
0x29: {  	s20 =	simm.s32 $0x2900  }
0x2a: {  	[tilespmem:s20], [sflag:$0x1] =	stream.indirect_vreg.gather [hbm4b:s7+s2], $0x80, v3, vm0, $0xb8;
	[tilespmem:$0xC100] =	vst v63  }
0x2b: {  	v3 =	vld [tilespmem:$0x10];
	_ =	sdelay $0x4  }
0x2c: {  	v4 =	vshrl.u32 v3, $0x3  }
0x2d: {  	v4 =	vmul.u32 $0x30, v4  }
0x2e: {  	v3 =	vand.u32 $0x7, v3  }
0x2f: {  	v3 =	vor.u32 v3, v4  }
0x30: {  	v4 =	vperm.xlane v3, v0;
	_ =	sdelay $0x1  }
0x31: {  	v4 =	vadd.s32 v1, v4;
	_ =	sdelay $0x3  }
0x32: {  	s21 =	simm.s32 $0x3100;
	v3 =	vperm.xlane v3, v2  }
0x33: {  	[tilespmem:s21], [sflag:$0x1] =	stream.indirect_vreg.gather [hbm4b:s3+s2], $0x80, v4, vm0, $0xb8;
	[tilespmem:$0xC100] =	vst v63  }
0x34: {  	s18 =	simm.s32 $0x3900;
	v3 =	vadd.s32 v1, v3  }
0x35: {  	[tilespmem:s18], [sflag:$0x1] =	stream.indirect_vreg.gather [hbm4b:s6+s2], $0x80, v4, vm0, $0xb8;
	[tilespmem:$0xC100] =	vst v63  }
0x36: {  	s19 =	simm.s32 $0x4100  }
0x37: {  	[tilespmem:s19], [sflag:$0x1] =	stream.indirect_vreg.gather [hbm4b:s7+s2], $0x80, v4, vm0, $0xb8;
	[tilespmem:$0xC100] =	vst v63  }
0x38: {  	s20 =	simm.s32 $0x4900  }
0x39: {  	[tilespmem:s20], [sflag:$0x1] =	stream.indirect_vreg.gather [hbm4b:s3+s2], $0x80, v3, vm0, $0xb8;
	[tilespmem:$0xC100] =	vst v63  }
0x3a: {  	_ = 	snop  }
0x3b: {  	[tilespmem:s22], [sflag:$0x1] =	stream.indirect_vreg.gather [hbm4b:s6+s2], $0x80, v3, vm0, $0xb8;
	[tilespmem:$0xC100] =	vst v63  }
0x3c: {  	_ = 	snop  }
0x3d: {  	[tilespmem:s23], [sflag:$0x1] =	stream.indirect_vreg.gather [hbm4b:s7+s2], $0x80, v3, vm0, $0xb8;
	[tilespmem:$0xC100] =	vst v63  }
0x3e: {  	_ =	swait.ge [sflag:s24], $0x6000  }
0x3f: {  	[sflag:s24] =	ssyncset.done $0x0  }
0x40: {  	[sflag:s24] =	ssyncadd.s32 $0xFFFFA000  }
0x41: {  	v3 =	vld [tilespmem:$0x80];
	_ =	sdelay $0x4  }
0x42: {  	v4 =	vshrl.u32 v3, $0x3  }
0x43: {  	v4 =	vmul.u32 $0x30, v4  }
0x44: {  	v3 =	vand.u32 $0x7, v3  }
0x45: {  	v3 =	vor.u32 v3, v4  }
0x46: {  	v4 =	vperm.xlane v3, v0;
	_ =	sdelay $0x1  }
0x47: {  	v4 =	vadd.s32 v1, v4;
	_ =	sdelay $0x3  }
0x48: {  	v3 =	vperm.xlane v3, v2  }
0x49: {  	[tilespmem:s25], [sflag:$0x1] =	stream.indirect_vreg.gather [hbm4b:s3+s2], $0x80, v4, vm0, $0xb8;
	[tilespmem:$0xC100] =	vst v63  }
0x4a: {  	v3 =	vadd.s32 v1, v3  }
0x4b: {  	[tilespmem:s26], [sflag:$0x1] =	stream.indirect_vreg.gather [hbm4b:s6+s2], $0x80, v4, vm0, $0xb8;
	[tilespmem:$0xC100] =	vst v63  }
0x4c: {  	_ = 	snop  }
0x4d: {  	[tilespmem:s28], [sflag:$0x1] =	stream.indirect_vreg.gather [hbm4b:s7+s2], $0x80, v4, vm0, $0xb8;
	[tilespmem:$0xC100] =	vst v63  }
0x4e: {  	_ = 	snop  }
0x4f: {  	[tilespmem:s29], [sflag:$0x1] =	stream.indirect_vreg.gather [hbm4b:s3+s2], $0x80, v3, vm0, $0xb8;
	[tilespmem:$0xC100] =	vst v63  }
0x50: {  	_ = 	snop  }
0x51: {  	[tilespmem:s30], [sflag:$0x1] =	stream.indirect_vreg.gather [hbm4b:s6+s2], $0x80, v3, vm0, $0xb8;
	[tilespmem:$0xC100] =	vst v63  }
0x52: {  	_ = 	snop  }
0x53: {  	[tilespmem:s31], [sflag:$0x1] =	stream.indirect_vreg.gather [hbm4b:s7+s2], $0x80, v3, vm0, $0xb8;
	[tilespmem:$0xC100] =	vst v63  }
0x54: {  	v3 =	vld [tilespmem:$0x90];
	_ =	sdelay $0x4  }
0x55: {  	v4 =	vshrl.u32 v3, $0x3  }
0x56: {  	v4 =	vmul.u32 $0x30, v4  }
0x57: {  	v3 =	vand.u32 $0x7, v3  }
0x58: {  	v3 =	vor.u32 v3, v4  }
0x59: {  	v4 =	vperm.xlane v3, v0;
	_ =	sdelay $0x1  }
0x5a: {  	v4 =	vadd.s32 v1, v4;
	_ =	sdelay $0x3  }
0x5b: {  	v3 =	vperm.xlane v3, v2  }
0x5c: {  	[tilespmem:s0], [sflag:$0x1] =	stream.indirect_vreg.gather [hbm4b:s3+s2], $0x80, v4, vm0, $0xb8;
	[tilespmem:$0xC100] =	vst v63  }
0x5d: {  	v3 =	vadd.s32 v1, v3  }
0x5e: {  	[tilespmem:s1], [sflag:$0x1] =	stream.indirect_vreg.gather [hbm4b:s6+s2], $0x80, v4, vm0, $0xb8;
	[tilespmem:$0xC100] =	vst v63  }
0x5f: {  	_ = 	snop  }
0x60: {  	[tilespmem:s11], [sflag:$0x1] =	stream.indirect_vreg.gather [hbm4b:s7+s2], $0x80, v4, vm0, $0xb8;
	[tilespmem:$0xC100] =	vst v63  }
0x61: {  	_ = 	snop  }
0x62: {  	[tilespmem:s13], [sflag:$0x1] =	stream.indirect_vreg.gather [hbm4b:s3+s2], $0x80, v3, vm0, $0xb8;
	[tilespmem:$0xC100] =	vst v63  }
0x63: {  	_ = 	snop  }
0x64: {  	[tilespmem:s14], [sflag:$0x1] =	stream.indirect_vreg.gather [hbm4b:s6+s2], $0x80, v3, vm0, $0xb8;
	[tilespmem:$0xC100] =	vst v63  }
0x65: {  	s21 =	simm.s32 $0x0  }
0x66: {  	[tilespmem:s15], [sflag:$0x1] =	stream.indirect_vreg.gather [hbm4b:s7+s2], $0x80, v3, vm0, $0xb8;
	[tilespmem:$0xC100] =	vst v63  }
0x67: {  	s17 =	smul.u32 $0x1800, s21;
	_ =	swait.ge [sflag:s24], $0x6000  }
0x68: {  	s18 =	sand.u32 $0x380, s2;
	[sflag:s24] =	ssyncset.done $0x0  }
0x69: {  	s17 =	sor.u32 s18, s17;
	[sflag:s24] =	ssyncadd.s32 $0xFFFFA000  }
0x6a: {  	v12 =	vld [tilespmem:s17+$0x6100]  }
0x6b: {  	v13 =	vld [tilespmem:s17+$0x6110]  }
0x6c: {  	v14 =	vld [tilespmem:s17+$0x6120]  }
0x6d: {  	v15 =	vld [tilespmem:s17+$0x6130]  }
0x6e: {  	v16 =	vld [tilespmem:s17+$0x6140]  }
0x6f: {  	v17 =	vld [tilespmem:s17+$0x6150]  }
0x70: {  	v18 =	vld [tilespmem:s17+$0x6160]  }
0x71: {  	v19 =	vld [tilespmem:s17+$0x6170]  }
0x72: {  	v20 =	vld [tilespmem:s17+$0x6500]  }
0x73: {  	v21 =	vld [tilespmem:s17+$0x6510]  }
0x74: {  	v22 =	vld [tilespmem:s17+$0x6520]  }
0x75: {  	v23 =	vld [tilespmem:s17+$0x6530]  }
0x76: {  	v24 =	vld [tilespmem:s17+$0x6540]  }
0x77: {  	v25 =	vld [tilespmem:s17+$0x6550]  }
0x78: {  	v26 =	vld [tilespmem:s17+$0x6560]  }
0x79: {  	v27 =	vld [tilespmem:s17+$0x6570]  }
0x7a: {  	v28 =	vld [tilespmem:s17+$0x6900]  }
0x7b: {  	v29 =	vld [tilespmem:s17+$0x6910]  }
0x7c: {  	v30 =	vld [tilespmem:s17+$0x6920]  }
0x7d: {  	v31 =	vld [tilespmem:s17+$0x6930]  }
0x7e: {  	v32 =	vld [tilespmem:s17+$0x6940]  }
0x7f: {  	v33 =	vld [tilespmem:s17+$0x6950]  }
0x80: {  	v34 =	vld [tilespmem:s17+$0x6960]  }
0x81: {  	v35 =	vld [tilespmem:s17+$0x6970]  }
0x82: {  	v36 =	vld [tilespmem:s17+$0x6D00]  }
0x83: {  	v37 =	vld [tilespmem:s17+$0x6D10]  }
0x84: {  	v38 =	vld [tilespmem:s17+$0x6D20]  }
0x85: {  	v39 =	vld [tilespmem:s17+$0x6D30]  }
0x86: {  	v40 =	vld [tilespmem:s17+$0x6D40]  }
0x87: {  	v41 =	vld [tilespmem:s17+$0x6D50]  }
0x88: {  	v42 =	vld [tilespmem:s17+$0x6D60]  }
0x89: {  	v43 =	vld [tilespmem:s17+$0x6D70]  }
0x8a: {  	v44 =	vld [tilespmem:s17+$0x7100]  }
0x8b: {  	v45 =	vld [tilespmem:s17+$0x7110]  }
0x8c: {  	v46 =	vld [tilespmem:s17+$0x7120]  }
0x8d: {  	v47 =	vld [tilespmem:s17+$0x7130]  }
0x8e: {  	v48 =	vld [tilespmem:s17+$0x7140]  }
0x8f: {  	v49 =	vld [tilespmem:s17+$0x7150]  }
0x90: {  	v50 =	vld [tilespmem:s17+$0x7160]  }
0x91: {  	v11 =	vld [tilespmem:s17+$0x7170]  }
0x92: {  	v10 =	vld [tilespmem:s17+$0x7500]  }
0x93: {  	v9 =	vld [tilespmem:s17+$0x7510]  }
0x94: {  	v8 =	vld [tilespmem:s17+$0x7520]  }
0x95: {  	v7 =	vld [tilespmem:s17+$0x7530]  }
0x96: {  	v6 =	vld [tilespmem:s17+$0x7540]  }
0x97: {  	v51 =	vld [tilespmem:s17+$0x100]  }
0x98: {  	v52 =	vld [tilespmem:s17+$0x110]  }
0x99: {  	v53 =	vld [tilespmem:s17+$0x120]  }
0x9a: {  	v54 =	vld [tilespmem:s17+$0x130]  }
0x9b: {  	v55 =	vld [tilespmem:s17+$0x140]  }
0x9c: {  	v62 =	vld [tilespmem:s17+$0x150];
	v12 =	vadd.f32 v12, v51  }
0x9d: {  	v63 =	vld [tilespmem:s17+$0x160];
	v13 =	vadd.f32 v13, v52  }
0x9e: {  	[tilespmem:s17+$0x100] =	vst v12;
	v12 =	vadd.f32 v14, v53;
	v14 =	vld [tilespmem:s17+$0x170]  }
0x9f: {  	[tilespmem:s17+$0x110] =	vst v13;
	v13 =	vadd.f32 v15, v54;
	v15 =	vld [tilespmem:s17+$0x500]  }
0xa0: {  	[tilespmem:s17+$0x120] =	vst v12;
	v12 =	vadd.f32 v16, v55;
	v16 =	vld [tilespmem:s17+$0x510]  }
0xa1: {  	[tilespmem:s17+$0x130] =	vst v13;
	v13 =	vadd.f32 v17, v62;
	v17 =	vld [tilespmem:s17+$0x520]  }
0xa2: {  	v5 =	vld [tilespmem:s17+$0x7550]  }
0xa3: {  	[tilespmem:s17+$0x140] =	vst v12;
	v12 =	vadd.f32 v18, v63;
	v18 =	vld [tilespmem:s17+$0x570]  }
0xa4: {  	[tilespmem:s17+$0x150] =	vst v13;
	v13 =	vadd.f32 v19, v14;
	v14 =	vld [tilespmem:s17+$0x530]  }
0xa5: {  	[tilespmem:s17+$0x160] =	vst v12;
	v12 =	vadd.f32 v20, v15;
	v15 =	vld [tilespmem:s17+$0x540]  }
0xa6: {  	[tilespmem:s17+$0x170] =	vst v13;
	v13 =	vadd.f32 v21, v16;
	v16 =	vadd.f32 v22, v17;
	v17 =	vld [tilespmem:s17+$0x560]  }
0xa7: {  	[tilespmem:s17+$0x500] =	vst v12;
	v12 =	vld [tilespmem:s17+$0x550]  }
0xa8: {  	[tilespmem:s17+$0x510] =	vst v13;
	v13 =	vld [tilespmem:s17+$0x900];
	v18 =	vadd.f32 v27, v18  }
0xa9: {  	[tilespmem:s17+$0x520] =	vst v16;
	v16 =	vld [tilespmem:s17+$0x910];
	v14 =	vadd.f32 v23, v14  }
0xaa: {  	v4 =	vld [tilespmem:s17+$0x7560];
	v15 =	vadd.f32 v24, v15;
	[tilespmem:s17+$0x570] =	vst v18  }
0xab: {  	[tilespmem:s17+$0x530] =	vst v14;
	v14 =	vld [tilespmem:s17+$0x920];
	v17 =	vadd.f32 v26, v17  }
0xac: {  	v12 =	vadd.f32 v25, v12;
	[tilespmem:s17+$0x540] =	vst v15;
	v15 =	vld [tilespmem:s17+$0x930]  }
0xad: {  	v18 =	vld [tilespmem:s17+$0x970];
	[tilespmem:s17+$0x560] =	vst v17;
	v13 =	vadd.f32 v28, v13  }
0xae: {  	v16 =	vadd.f32 v29, v16;
	[tilespmem:s17+$0x550] =	vst v12;
	v12 =	vld [tilespmem:s17+$0x940]  }
0xaf: {  	v17 =	vld [tilespmem:s17+$0x950];
	[tilespmem:s17+$0x900] =	vst v13  }
0xb0: {  	[tilespmem:s17+$0x910] =	vst v16;
	v16 =	vld [tilespmem:s17+$0x960];
	v13 =	vadd.f32 v30, v14  }
0xb1: {  	v14 =	vld [tilespmem:s17+$0xD00];
	v15 =	vadd.f32 v31, v15  }
0xb2: {  	[tilespmem:s17+$0x920] =	vst v13;
	v13 =	vld [tilespmem:s17+$0xD10]  }
0xb3: {  	v12 =	vadd.f32 v32, v12;
	[tilespmem:s17+$0x930] =	vst v15;
	v15 =	vld [tilespmem:s17+$0xD20]  }
0xb4: {  	v3 =	vld [tilespmem:s17+$0x7570];
	v17 =	vadd.f32 v33, v17  }
0xb5: {  	v16 =	vadd.f32 v34, v16;
	[tilespmem:s17+$0x940] =	vst v12;
	v12 =	vld [tilespmem:s17+$0xD30]  }
0xb6: {  	[tilespmem:s17+$0x950] =	vst v17;
	v17 =	vld [tilespmem:s17+$0xD40];
	v14 =	vadd.f32 v36, v14  }
0xb7: {  	v18 =	vadd.f32 v35, v18;
	[tilespmem:s17+$0x960] =	vst v16;
	v16 =	vld [tilespmem:s17+$0xD50]  }
0xb8: {  	v13 =	vadd.f32 v37, v13;
	[tilespmem:s17+$0xD00] =	vst v14;
	v14 =	vadd.f32 v38, v15;
	v15 =	vld [tilespmem:s17+$0xD60]  }
0xb9: {  	[tilespmem:s17+$0x970] =	vst v18;
	v18 =	vld [tilespmem:s17+$0xD70]  }
0xba: {  	[tilespmem:s17+$0xD10] =	vst v13;
	v13 =	vld [tilespmem:s17+$0x1100];
	v12 =	vadd.f32 v39, v12  }
0xbb: {  	v17 =	vadd.f32 v40, v17;
	[tilespmem:s17+$0xD20] =	vst v14;
	v14 =	vld [tilespmem:s17+$0x1110]  }
0xbc: {  	v16 =	vadd.f32 v41, v16;
	[tilespmem:s17+$0xD30] =	vst v12;
	v12 =	vld [tilespmem:s17+$0x1120]  }
0xbd: {  	[tilespmem:s17+$0xD40] =	vst v17;
	v17 =	vld [tilespmem:s17+$0x1130];
	v15 =	vadd.f32 v42, v15  }
0xbe: {  	v19 =	vld [tilespmem:s17+$0x1140];
	[tilespmem:s17+$0xD50] =	vst v16;
	v16 =	vadd.f32 v43, v18  }
0xbf: {  	v18 =	vld [tilespmem:s17+$0x1150];
	v13 =	vadd.f32 v44, v13;
	[tilespmem:s17+$0xD60] =	vst v15  }
0xc0: {  	v20 =	vld [tilespmem:s17+$0x1160];
	[tilespmem:s17+$0xD70] =	vst v16;
	v14 =	vadd.f32 v45, v14  }
0xc1: {  	v16 =	vld [tilespmem:s17+$0x1170];
	[tilespmem:s17+$0x1100] =	vst v13;
	v12 =	vadd.f32 v46, v12  }
0xc2: {  	v15 =	vld [tilespmem:s17+$0x1500];
	v13 =	vadd.f32 v47, v17;
	[tilespmem:s17+$0x1110] =	vst v14  }
0xc3: {  	v14 =	vld [tilespmem:s17+$0x1510];
	[tilespmem:s17+$0x1120] =	vst v12;
	v12 =	vadd.f32 v48, v19  }
0xc4: {  	[tilespmem:s17+$0x1130] =	vst v13;
	v13 =	vld [tilespmem:s17+$0x1520];
	v18 =	vadd.f32 v49, v18  }
0xc5: {  	s18 =	simm.s32 $0x1;
	s19 =	simm.s32 $0x0;
	v17 =	vadd.f32 v50, v20;
	[tilespmem:s17+$0x1140] =	vst v12;
	v12 =	vld [tilespmem:s17+$0x1530]  }
.LBB2_2:
0xc6: {  	s20 =	sshrl.u32 s18, $0x3;
	p0 =	sne.s32 s18, $0x1F;
	[tilespmem:s17+$0x1150] =	vst v18;
	v11 =	vadd.f32 v11, v16;
	v16 =	vld [tilespmem:s17+$0x1540]  }
0xc7: {  	s19 =	sadd.s32 $0x80, s19;
	s20 =	smul.u32 $0x1800, s20;
	[tilespmem:s17+$0x1160] =	vst v17;
	v10 =	vadd.f32 v10, v15;
	v15 =	vld [tilespmem:s17+$0x1550]  }
0xc8: {  	s21 =	sand.u32 $0x380, s19;
	[tilespmem:s17+$0x1170] =	vst v11;
	v9 =	vadd.f32 v9, v14;
	v11 =	vld [tilespmem:s17+$0x1560]  }
0xc9: {  	s20 =	sor.u32 s21, s20;
	[tilespmem:s17+$0x1500] =	vst v10;
	v8 =	vadd.f32 v8, v13;
	v10 =	vld [tilespmem:s17+$0x1570]  }
0xca: {  	v39 =	vld [tilespmem:s20+$0x6100];
	[tilespmem:s17+$0x1510] =	vst v9;
	v7 =	vadd.f32 v7, v12  }
0xcb: {  	v40 =	vld [tilespmem:s20+$0x6110];
	[tilespmem:s17+$0x1520] =	vst v8;
	v6 =	vadd.f32 v6, v16  }
0xcc: {  	v41 =	vld [tilespmem:s20+$0x6120];
	[tilespmem:s17+$0x1530] =	vst v7;
	v5 =	vadd.f32 v5, v15  }
0xcd: {  	v42 =	vld [tilespmem:s20+$0x6130];
	[tilespmem:s17+$0x1540] =	vst v6;
	v4 =	vadd.f32 v4, v11  }
0xce: {  	v43 =	vld [tilespmem:s20+$0x6140];
	[tilespmem:s17+$0x1550] =	vst v5;
	v3 =	vadd.f32 v3, v10  }
0xcf: {  	v44 =	vld [tilespmem:s20+$0x6150];
	[tilespmem:s17+$0x1560] =	vst v4  }
0xd0: {  	v45 =	vld [tilespmem:s20+$0x6160];
	[tilespmem:s17+$0x1570] =	vst v3;
	s17 =	smov.u32 s20  }
0xd1: {  	v46 =	vld [tilespmem:s17+$0x6170]  }
0xd2: {  	v47 =	vld [tilespmem:s17+$0x6500]  }
0xd3: {  	v48 =	vld [tilespmem:s17+$0x6510]  }
0xd4: {  	v49 =	vld [tilespmem:s17+$0x6520]  }
0xd5: {  	v50 =	vld [tilespmem:s17+$0x6530]  }
0xd6: {  	v38 =	vld [tilespmem:s17+$0x6540]  }
0xd7: {  	v37 =	vld [tilespmem:s17+$0x6550]  }
0xd8: {  	v36 =	vld [tilespmem:s17+$0x6560]  }
0xd9: {  	v35 =	vld [tilespmem:s17+$0x6570]  }
0xda: {  	v34 =	vld [tilespmem:s17+$0x6900]  }
0xdb: {  	v33 =	vld [tilespmem:s17+$0x6910]  }
0xdc: {  	v32 =	vld [tilespmem:s17+$0x6920]  }
0xdd: {  	v31 =	vld [tilespmem:s17+$0x6930]  }
0xde: {  	v30 =	vld [tilespmem:s17+$0x6940]  }
0xdf: {  	v29 =	vld [tilespmem:s17+$0x6950]  }
0xe0: {  	v28 =	vld [tilespmem:s17+$0x6960]  }
0xe1: {  	v27 =	vld [tilespmem:s17+$0x6970]  }
0xe2: {  	v26 =	vld [tilespmem:s17+$0x6D00]  }
0xe3: {  	v25 =	vld [tilespmem:s17+$0x6D10]  }
0xe4: {  	v24 =	vld [tilespmem:s17+$0x6D20]  }
0xe5: {  	v23 =	vld [tilespmem:s17+$0x6D30]  }
0xe6: {  	v22 =	vld [tilespmem:s17+$0x6D40]  }
0xe7: {  	v21 =	vld [tilespmem:s17+$0x6D50]  }
0xe8: {  	v20 =	vld [tilespmem:s17+$0x6D60]  }
0xe9: {  	v19 =	vld [tilespmem:s17+$0x6D70]  }
0xea: {  	v18 =	vld [tilespmem:s17+$0x7100]  }
0xeb: {  	v17 =	vld [tilespmem:s17+$0x7110]  }
0xec: {  	v16 =	vld [tilespmem:s17+$0x7120]  }
0xed: {  	v15 =	vld [tilespmem:s17+$0x7130]  }
0xee: {  	v14 =	vld [tilespmem:s17+$0x7140]  }
0xef: {  	v13 =	vld [tilespmem:s17+$0x7150]  }
0xf0: {  	v12 =	vld [tilespmem:s17+$0x7160]  }
0xf1: {  	v11 =	vld [tilespmem:s17+$0x7170]  }
0xf2: {  	v10 =	vld [tilespmem:s17+$0x7500]  }
0xf3: {  	v9 =	vld [tilespmem:s17+$0x7510]  }
0xf4: {  	v8 =	vld [tilespmem:s17+$0x7520]  }
0xf5: {  	v7 =	vld [tilespmem:s17+$0x7530]  }
0xf6: {  	v6 =	vld [tilespmem:s17+$0x7540]  }
0xf7: {  	v5 =	vld [tilespmem:s17+$0x7550]  }
0xf8: {  	v4 =	vld [tilespmem:s17+$0x7560]  }
0xf9: {  	v3 =	vld [tilespmem:s17+$0x7570]  }
0xfa: {  	v51 =	vld [tilespmem:s17+$0x100]  }
0xfb: {  	v52 =	vld [tilespmem:s17+$0x110]  }
0xfc: {  	v53 =	vld [tilespmem:s17+$0x120]  }
0xfd: {  	v54 =	vld [tilespmem:s17+$0x130]  }
0xfe: {  	v55 =	vld [tilespmem:s17+$0x140]  }
0xff: {  	v39 =	vadd.f32 v39, v51;
	v51 =	vld [tilespmem:s17+$0x150]  }
0x100: {  	v40 =	vadd.f32 v40, v52;
	v52 =	vld [tilespmem:s17+$0x160]  }
0x101: {  	[tilespmem:s17+$0x100] =	vst v39;
	v39 =	vadd.f32 v41, v53;
	v41 =	vld [tilespmem:s17+$0x170]  }
0x102: {  	[tilespmem:s17+$0x110] =	vst v40;
	v40 =	vadd.f32 v42, v54;
	v42 =	vld [tilespmem:s17+$0x500]  }
0x103: {  	[tilespmem:s17+$0x120] =	vst v39;
	v39 =	vadd.f32 v43, v55;
	v43 =	vld [tilespmem:s17+$0x510]  }
0x104: {  	[tilespmem:s17+$0x130] =	vst v40;
	v40 =	vadd.f32 v44, v51;
	v44 =	vld [tilespmem:s17+$0x520]  }
0x105: {  	[tilespmem:s17+$0x140] =	vst v39;
	v39 =	vadd.f32 v45, v52;
	v45 =	vld [tilespmem:s17+$0x530]  }
0x106: {  	[tilespmem:s17+$0x150] =	vst v40;
	v40 =	vadd.f32 v46, v41;
	v41 =	vld [tilespmem:s17+$0x540]  }
0x107: {  	[tilespmem:s17+$0x160] =	vst v39;
	v39 =	vadd.f32 v47, v42;
	v42 =	vld [tilespmem:s17+$0x550]  }
0x108: {  	[tilespmem:s17+$0x170] =	vst v40;
	v40 =	vadd.f32 v48, v43;
	v43 =	vld [tilespmem:s17+$0x560]  }
0x109: {  	[tilespmem:s17+$0x500] =	vst v39;
	v39 =	vadd.f32 v49, v44;
	v44 =	vld [tilespmem:s17+$0x570]  }
0x10a: {  	[tilespmem:s17+$0x510] =	vst v40;
	v40 =	vadd.f32 v50, v45;
	v45 =	vld [tilespmem:s17+$0x900]  }
0x10b: {  	[tilespmem:s17+$0x520] =	vst v39;
	v38 =	vadd.f32 v38, v41;
	v39 =	vld [tilespmem:s17+$0x910]  }
0x10c: {  	[tilespmem:s17+$0x530] =	vst v40;
	v37 =	vadd.f32 v37, v42;
	v40 =	vld [tilespmem:s17+$0x920]  }
0x10d: {  	[tilespmem:s17+$0x540] =	vst v38;
	v36 =	vadd.f32 v36, v43;
	v38 =	vld [tilespmem:s17+$0x930]  }
0x10e: {  	[tilespmem:s17+$0x550] =	vst v37;
	v35 =	vadd.f32 v35, v44;
	v37 =	vld [tilespmem:s17+$0x940]  }
0x10f: {  	[tilespmem:s17+$0x560] =	vst v36;
	v34 =	vadd.f32 v34, v45;
	v36 =	vld [tilespmem:s17+$0x950]  }
0x110: {  	[tilespmem:s17+$0x570] =	vst v35;
	v33 =	vadd.f32 v33, v39;
	v35 =	vld [tilespmem:s17+$0x960]  }
0x111: {  	[tilespmem:s17+$0x900] =	vst v34;
	v32 =	vadd.f32 v32, v40;
	v34 =	vld [tilespmem:s17+$0x970]  }
0x112: {  	[tilespmem:s17+$0x910] =	vst v33;
	v31 =	vadd.f32 v31, v38;
	v33 =	vld [tilespmem:s17+$0xD00]  }
0x113: {  	[tilespmem:s17+$0x920] =	vst v32;
	v30 =	vadd.f32 v30, v37;
	v32 =	vld [tilespmem:s17+$0xD10]  }
0x114: {  	[tilespmem:s17+$0x930] =	vst v31;
	v29 =	vadd.f32 v29, v36;
	v31 =	vld [tilespmem:s17+$0xD20]  }
0x115: {  	[tilespmem:s17+$0x940] =	vst v30;
	v28 =	vadd.f32 v28, v35;
	v30 =	vld [tilespmem:s17+$0xD30]  }
0x116: {  	[tilespmem:s17+$0x950] =	vst v29;
	v27 =	vadd.f32 v27, v34;
	v29 =	vld [tilespmem:s17+$0xD40]  }
0x117: {  	[tilespmem:s17+$0x960] =	vst v28;
	v26 =	vadd.f32 v26, v33;
	v28 =	vld [tilespmem:s17+$0xD50]  }
0x118: {  	[tilespmem:s17+$0x970] =	vst v27;
	v25 =	vadd.f32 v25, v32;
	v27 =	vld [tilespmem:s17+$0xD60]  }
0x119: {  	[tilespmem:s17+$0xD00] =	vst v26;
	v24 =	vadd.f32 v24, v31;
	v26 =	vld [tilespmem:s17+$0xD70]  }
0x11a: {  	[tilespmem:s17+$0xD10] =	vst v25;
	v23 =	vadd.f32 v23, v30;
	v25 =	vld [tilespmem:s17+$0x1100]  }
0x11b: {  	[tilespmem:s17+$0xD20] =	vst v24;
	v22 =	vadd.f32 v22, v29;
	v24 =	vld [tilespmem:s17+$0x1110]  }
0x11c: {  	[tilespmem:s17+$0xD30] =	vst v23;
	v21 =	vadd.f32 v21, v28;
	v23 =	vld [tilespmem:s17+$0x1120]  }
0x11d: {  	[tilespmem:s17+$0xD40] =	vst v22;
	v20 =	vadd.f32 v20, v27;
	v22 =	vld [tilespmem:s17+$0x1130]  }
0x11e: {  	[tilespmem:s17+$0xD50] =	vst v21;
	v19 =	vadd.f32 v19, v26;
	v21 =	vld [tilespmem:s17+$0x1140]  }
0x11f: {  	[tilespmem:s17+$0xD60] =	vst v20;
	v18 =	vadd.f32 v18, v25;
	v20 =	vld [tilespmem:s17+$0x1150]  }
0x120: {  	[tilespmem:s17+$0xD70] =	vst v19;
	v17 =	vadd.f32 v17, v24;
	v19 =	vld [tilespmem:s17+$0x1160]  }
.Ltmp0:
0x121: {  	[tilespmem:s17+$0x1100] =	vst v18;
	v18 =	vadd.f32 v16, v23;
	v16 =	vld [tilespmem:s17+$0x1170];
	(pc) =	sbr.rel @p0 .LBB2_2-.Ltmp0, $4  }
0x122: {  	[tilespmem:s17+$0x1110] =	vst v17;
	v17 =	vadd.f32 v15, v22;
	v15 =	vld [tilespmem:s17+$0x1500]  }
0x123: {  	[tilespmem:s17+$0x1120] =	vst v18;
	v21 =	vadd.f32 v14, v21;
	v14 =	vld [tilespmem:s17+$0x1510]  }
0x124: {  	[tilespmem:s17+$0x1130] =	vst v17;
	v18 =	vadd.f32 v13, v20;
	v13 =	vld [tilespmem:s17+$0x1520]  }
0x125: {  	s18 =	sadd.s32 $0x1, s18;
	[tilespmem:s17+$0x1140] =	vst v21;
	v17 =	vadd.f32 v12, v19;
	v12 =	vld [tilespmem:s17+$0x1530]  }
0x126: {  	[tilespmem:s17+$0x1150] =	vst v18;
	v60 =	vld [tilespmem:s17+$0x1540];
	v11 =	vadd.f32 v11, v16  }
0x127: {  	v61 =	vld [tilespmem:s17+$0x1550];
	[tilespmem:s17+$0x1160] =	vst v17;
	v10 =	vadd.f32 v10, v15  }
0x128: {  	v62 =	vld [tilespmem:s17+$0x1560];
	[tilespmem:s17+$0x1170] =	vst v11;
	v9 =	vadd.f32 v9, v14  }
0x129: {  	v63 =	vld [tilespmem:s17+$0x1570];
	[tilespmem:s17+$0x1500] =	vst v10;
	v8 =	vadd.f32 v8, v13  }
0x12a: {  	[tilespmem:s17+$0x1510] =	vst v9;
	v7 =	vadd.f32 v7, v12  }
0x12b: {  	[tilespmem:s17+$0x1520] =	vst v8;
	v6 =	vadd.f32 v6, v60  }
0x12c: {  	v5 =	vadd.f32 v5, v61;
	[tilespmem:s17+$0x1530] =	vst v7  }
0x12d: {  	v4 =	vadd.f32 v4, v62;
	[tilespmem:s17+$0x1540] =	vst v6  }
0x12e: {  	s16 =	sadd.s32 $0x1, s16;
	v3 =	vadd.f32 v3, v63;
	[tilespmem:s17+$0x1550] =	vst v5  }
0x12f: {  	p0 =	sne.s32 s16, s9;
	[tilespmem:s17+$0x1560] =	vst v4  }
.Ltmp1:
0x130: {  	[tilespmem:s17+$0x1570] =	vst v3;
	(pc) =	sbr.rel @p0 .LBB2_1-.Ltmp1, $4  }
0x131: {  	[hbm4b:s8+s2] =	stream.linear.scatter [tilespmem:s12], [sflag:$0x2], $0x6000, $0x38;
	[tilespmem:$0xC100] =	vst v63  }
0x132: {  	_ =	swait.ge [sflag:s10], $0x6000  }
0x133: {  	[sflag:s10] =	ssyncset.done $0x0  }
0x134: {  	[sflag:s10] =	ssyncadd.s32 $0xFFFFA000  }
0x135: {  	_ =	sfence.sel $0x180000  }
0x136: {  	[bflag:$0x0] =	sbarrier.arrive $0xFFFF  }
0x137: {  	_ =	strace $0x9000004A  }
0x138: {  	s0 =	stileid.u32;
	[bflag:$0x2] =	sbarrier.arrive $0xFFFF  }
0x139: {  	p0 =	sne.s32 s0, $0x0;
	s0 =	rddreg [dreg:$0x2]  }
0x13a: {  	s0 =	sadd.s32 @!p0 $0x100000, s0  }
0x13b: {  	[sflag:s0] =	ssyncadd.tile.s32 @!p0 $0x1;
	_ =	shalt  }
.Lfunc_end2:
_tile_overlayer_lowered:
.L_overlay_start_2:
0x13c: {  	(tag) =	ssettag $0x2  }
0x13d: {  	s0 =	rddreg [dreg:$0x0];
	s2 =	stileid.u32  }
0x13e: {  	s1 =	rddreg [dreg:$0x1];
	p0 =	sne.s32 s2, $0x0  }
0x13f: {  	s3 =	rddreg [dreg:$0x2];
	[bflag:$0x3] =	sbarrier.arrive $0xFFFF;
	s2 =	simm.s32 @!p0 $0x1C02  }
0x140: {  	[timem:s3], [sflag:s2] =	dma.local @!p0 [hbm:s0], s1  }
0x141: {  	s0 =	simm.s32 @!p0 $0x2  }
0x142: {  	_ =	swait.ge @!p0 [sflag:s0], s1  }
0x143: {  	s1 =	ssub.s32 @!p0 $0x0, s1;
	[sflag:s0] =	ssyncset.done @!p0 $0x0  }
0x144: {  	[sflag:s0] =	ssyncadd.s32 @!p0 s1  }
0x145: {  	[bflag:$0x3] =	sbarrier.arrive $0xFFFF  }
0x146: {  	_ =	shalt  }

// kernel: kernel.9.cloned.1.call-start
scs
__scs_entry_jumppad:
0x0: {  	(pc) =	sbr.rel $0x88, $3  }
0x1: {  	(tag) =	ssettag $0x0;
	lr =	simm.s32 $0x1  }
0x2: {  	[smem:$0x3F96] =	sst lr;
	_ =	strace $0xD0000000  }
0x3: {  	_ = 	snop  }
0x4: {  	_ = 	snop  }
0x5: {  	_ = 	snop  }
0x6: {  	_ = 	snop  }
0x7: {  	_ = 	snop  }
__scs_overlays_trampoline_lowered:
0x8: {  	[smem:$0x3FA5] =	sst s0  }
0x9: {  	[smem:$0x3FA6] =	sst s1  }
0xa: {  	[smem:$0x3FA7] =	sst s2  }
0xb: {  	[smem:$0x3FA8] =	sst s3  }
0xc: {  	[smem:$0x3FA9] =	sst s4  }
0xd: {  	[smem:$0x3FAA] =	sst s5  }
0xe: {  	[smem:$0x3FAB] =	sst s6  }
0xf: {  	[smem:$0x3FAC] =	sst s7  }
0x10: {  	[smem:$0x3FAD] =	sst s8  }
0x11: {  	[smem:$0x3FAE] =	sst s9;
	s0 =	simm.s32 @!p0 $0x0  }
0x12: {  	s1 =	sld [smem:$0x3F94];
	s0 =	simm.s32 @p0 $0x1  }
0x13: {  	[smem:$0x3FAF] =	sst s0;
	s0 =	simm.s32 @!p1 $0x0  }
0x14: {  	s2 =	sld [smem:$0x3F93];
	s0 =	simm.s32 @p1 $0x1  }
0x15: {  	[smem:$0x3FB0] =	sst s0;
	s0 =	simm.s32 @!p2 $0x0  }
0x16: {  	s3 =	sld [smem:$0x3FDB];
	s0 =	simm.s32 @p2 $0x1  }
0x17: {  	s4 =	simm.s32 $0x1BF5;
	[smem:$0x3FB2] =	sst s0  }
0x18: {  	s0 =	sld [smem:$0x3F95];
	_ =	swait.ge [sflag:s4], $0x0  }
0x19: {  	s7 =	sld [smem:$0x3F96]  }
0x1a: {  	s8 =	sadd.s32 $0xFFFFE003, lr  }
0x1b: {  	s9 =	sadd.s32 $0xFFFFFEF7, lr;
	s5 =	simm.s32 $0xFFFFFFFF;
	p2 =	slt.u32 s8, $0xFFFFF086  }
0x1c: {  	p1 =	slt.u32 s9, $0xF7A;
	s5 =	simm.s32 @!p2 $0x0  }
0x1d: {  	s5 =	simm.s32 @p1 $0x1;
	p0 =	seq.s32 s7, s2  }
0x1e: {  	s7 =	smul.u32 @!p0 $0xF7A, s2;
	p2 =	seq.s32 @!p0 s5, $0x0  }
0x1f: {  	s9 =	smul.u32 $0xF7A, s1;
	s8 =	simm.s32 @!p0 $0x1BF5;
	p2 =	por !p2, p0  }
0x20: {  	[sflag:s8] =	ssyncset.s32 @!p0 $0xFFFFF086;
	s6 =	sadd.s32 @!p0 s3, s7;
	s7 =	simm.s32 @!p0 $0x108  }
0x21: {  	s3 =	sadd.s32 s3, s9;
	s6 =	sadd.s32 @!p0 $0x88, s6;
	s7 =	simm.s32 @p2 $0x1082  }
0x22: {  	[simem:s7], [sflag:s8] =	dma.local @!p0 [hbm:s6], $0xF7A  }
0x23: {  	s9 =	sor.u32 $0xD0000000, s2;
	s6 =	simm.s32 $0x108;
	_ =	swait.ge @!p0 [sflag:s8], $0x0  }
0x24: {  	s3 =	sadd.s32 $0x88, s3;
	s6 =	simm.s32 @!p1 $0x1082;
	[sflag:s4] =	ssyncset.s32 $0xFFFFF086  }
0x25: {  	[simem:s6], [sflag:s4] =	dma.local [hbm:s3], $0xF7A  }
0x26: {  	[smem:$0x3F96] =	sst s1;
	(tag) =	ssettag s2;
	_ =	strace s9  }
0x27: {  	s1 =	sld [smem:$0x3FA6]  }
0x28: {  	s2 =	sld [smem:$0x3FA7]  }
0x29: {  	s4 =	sld [smem:$0x3FA9]  }
0x2a: {  	p0 =	seq.s32 s5, $0x0;
	s5 =	sld [smem:$0x3FAA]  }
0x2b: {  	s6 =	sld [smem:$0x3FAB]  }
0x2c: {  	s7 =	sld [smem:$0x3FAC]  }
0x2d: {  	s3 =	simm.s32 $0x108;
	s8 =	sld [smem:$0x3FAD]  }
0x2e: {  	s3 =	simm.s32 @!p0 $0x1082;
	s9 =	sld [smem:$0x3FAE]  }
0x2f: {  	lr =	sadd.s32 s0, s3;
	s0 =	sld [smem:$0x3FA5]  }
0x30: {  	s3 =	sld [smem:$0x3FA8]  }
0x31: {  	[smem:$0x3FB1] =	sst s10  }
0x32: {  	s10 =	sld [smem:$0x3FAF];
	_ =	sdelay $0x3  }
0x33: {  	p0 =	seq.s32 s10, $0x1;
	s10 =	sld [smem:$0x3FB1];
	_ =	sdelay $0x3  }
0x34: {  	[smem:$0x3FB1] =	sst s10  }
0x35: {  	s10 =	sld [smem:$0x3FB0];
	_ =	sdelay $0x3  }
0x36: {  	p1 =	seq.s32 s10, $0x1;
	s10 =	sld [smem:$0x3FB1];
	_ =	sdelay $0x3  }
0x37: {  	[smem:$0x3FB1] =	sst s10  }
0x38: {  	s10 =	sld [smem:$0x3FB2]  }
0x39: {  	_ = 	snop;
	(pc) =	sbr.ind lr, $3  }
0x3a: {  	_ = 	snop  }
0x3b: {  	_ = 	snop  }
0x3c: {  	p2 =	seq.s32 s10, $0x1;
	s10 =	sld [smem:$0x3FB1]  }
0x3d: {  	_ =	shalt  }
0x3e: {  	_ =	shalt  }
0x3f: {  	_ =	shalt  }
0x40: {  	_ =	shalt  }
0x41: {  	_ =	shalt  }
0x42: {  	_ =	shalt  }
0x43: {  	_ =	shalt  }
0x44: {  	_ =	shalt  }
0x45: {  	_ =	shalt  }
0x46: {  	_ =	shalt  }
0x47: {  	_ =	shalt  }
0x48: {  	_ =	shalt  }
0x49: {  	_ =	shalt  }
0x4a: {  	_ =	shalt  }
0x4b: {  	_ =	shalt  }
0x4c: {  	_ =	shalt  }
0x4d: {  	_ =	shalt  }
0x4e: {  	_ =	shalt  }
0x4f: {  	_ =	shalt  }
0x50: {  	_ =	shalt  }
0x51: {  	_ =	shalt  }
0x52: {  	_ =	shalt  }
0x53: {  	_ =	shalt  }
0x54: {  	_ =	shalt  }
0x55: {  	_ =	shalt  }
0x56: {  	_ =	shalt  }
0x57: {  	_ =	shalt  }
0x58: {  	_ =	shalt  }
0x59: {  	_ =	shalt  }
0x5a: {  	_ =	shalt  }
0x5b: {  	_ =	shalt  }
0x5c: {  	_ =	shalt  }
0x5d: {  	_ =	shalt  }
0x5e: {  	_ =	shalt  }
0x5f: {  	_ =	shalt  }
0x60: {  	_ =	shalt  }
0x61: {  	_ =	shalt  }
0x62: {  	_ =	shalt  }
0x63: {  	_ =	shalt  }
0x64: {  	_ =	shalt  }
0x65: {  	_ =	shalt  }
0x66: {  	_ =	shalt  }
0x67: {  	_ =	shalt  }
0x68: {  	_ =	shalt  }
0x69: {  	_ =	shalt  }
0x6a: {  	_ =	shalt  }
0x6b: {  	_ =	shalt  }
0x6c: {  	_ =	shalt  }
0x6d: {  	_ =	shalt  }
0x6e: {  	_ =	shalt  }
0x6f: {  	_ =	shalt  }
0x70: {  	_ =	shalt  }
0x71: {  	_ =	shalt  }
0x72: {  	_ =	shalt  }
0x73: {  	_ =	shalt  }
0x74: {  	_ =	shalt  }
0x75: {  	_ =	shalt  }
0x76: {  	_ =	shalt  }
0x77: {  	_ =	shalt  }
0x78: {  	_ =	shalt  }
0x79: {  	_ =	shalt  }
0x7a: {  	_ =	shalt  }
0x7b: {  	_ =	shalt  }
0x7c: {  	_ =	shalt  }
0x7d: {  	_ =	shalt  }
0x7e: {  	_ =	shalt  }
0x7f: {  	_ =	shalt  }
0x80: {  	_ =	shalt  }
0x81: {  	_ =	shalt  }
0x82: {  	_ =	shalt  }
0x83: {  	_ =	shalt  }
0x84: {  	_ =	shalt  }
0x85: {  	_ =	shalt  }
0x86: {  	_ =	shalt  }
0x87: {  	_ =	shalt  }
.Lfunc_end0:
.L_simem_size_0:
called_computation_lowered:
.L_overlay_start_0:
0x88: {  	s2 =	sld [smem:$0x3FD9]  }
0x89: {  	s3 =	sld [smem:$0x3FFE];
	_ =	sdelay $0x1  }
0x8a: {  	s1 =	srdreg.scid  }
0x8b: {  	s0 =	sand.u32 $0x1, s1  }
0x8c: {  	s17 =	sshll.u32 s0, $0xA;
	s2 =	sadd.s32 s3, s2  }
0x8d: {  	s2 =	sadd.s32 s2, s17  }
0x8e: {  	[smem:$0x3FBD] =	sst s2  }
0x8f: {  	_ = 	snop  }
0x90: {  	s2 =	sld [smem:$0x3FD0];
	(tm) =	ssettm $0x1  }
0x91: {  	s18 =	sld [smem:$0x3FFB];
	_ =	sdelay $0x3  }
0x92: {  	_ =	strace s18  }
0x93: {  	s3 =	sld [smem:$0x3FFC];
	_ =	sdelay $0x3  }
0x94: {  	_ =	strace s3  }
0x95: {  	s3 =	sld [smem:$0x3FFD];
	_ =	sdelay $0x3  }
0x96: {  	_ =	strace s3  }
0x97: {  	_ =	strace $0x8FFFFFFF  }
0x98: {  	s19 =	sld [smem:$0x3FDB];
	_ =	sdelay $0x1  }
0x99: {  	s4 =	simm.s32 $_scs_section_size  }
0x9a: {  	s5 =	simm.s32 $_size__tile_overlayer_lowered;
	s6 =	simm.s32 $_tile_overlayer_lowered  }
0x9b: {  	s22 =	simm.s32 $0x1BFF;
	s21 =	sshll.u32 s6, $0x1;
	s3 =	sadd.s32 s4, s19  }
0x9c: {  	s7 =	simm.s32 $0x0;
	s20 =	sshll.u32 s5, $0x1;
	s5 =	sadd.s32 s21, s3  }
0x9d: {  	[timem:s7], [sflag:s22] =	dma.local [hbm:s5], s20  }
0x9e: {  	_ =	swait.ge [sflag:s22], s20  }
0x9f: {  	s4 =	ssub.s32 $0x0, s20;
	[sflag:s22] =	ssyncset.done $0x0  }
0xa0: {  	[sflag:s22] =	ssyncadd.s32 s4;
	_ =	sdelay $0x1  }
0xa1: {  	s23 =	simm.s32 $0x1B8B  }
0xa2: {  	_ =	swait.ge [sflag:s23], $0x1  }
0xa3: {  	[sflag:s23] =	ssyncset.done $0x0  }
0xa4: {  	s25 =	simm.s32 $0x1B8E;
	s24 =	sld [smem:$0x3FFE];
	[sflag:s23] =	ssyncadd.s32 $0xFFFFFFFF  }
0xa5: {  	s26 =	simm.s32 $execute0_lowered;
	[smem:$0x3FD2] =	sst s25  }
0xa6: {  	s5 =	sshll.u32 s26, $0x1;
	_ =	strace $0x80000046;
	[dreg:$0x1] =	wrdreg $0xFFFFFFFF  }
0xa7: {  	s28 =	simm.s32 $_size_execute0_lowered;
	s3 =	sadd.s32 s3, s5;
	[dreg:$0x0] =	wrdreg $0x0  }
0xa8: {  	s5 =	sshll.u32 s28, $0x1;
	[dreg:$0x2] =	wrdreg s3  }
0xa9: {  	[dreg:$0x3] =	wrdreg s5  }
0xaa: {  	[dreg:$0x4] =	wrdreg $0xC0  }
0xab: {  	_ =	task [dreg:s7], $0x5FFFF  }
0xac: {  	[dreg:$0x1] =	wrdreg $0xFFFFFFFF  }
0xad: {  	[dreg:$0x0] =	wrdreg $0x60  }
0xae: {  	[dreg:$0x2] =	wrdreg s2  }
0xaf: {  	[dreg:$0x3] =	wrdreg s24  }
0xb0: {  	[dreg:$0x4] =	wrdreg $0x9  }
0xb1: {  	_ =	task.clear_ibuf [dreg:s7], $0x5FFFF;
	_ =	strace $0x90000046  }
0xb2: {  	s29 =	simm.s32 $0x9;
	_ =	strace $0x80000048  }
0xb3: {  	_ =	swait.ge [sflag:s29], $0x1  }
0xb4: {  	[sflag:s29] =	ssyncadd.s32 $0xFFFFFFFF  }
0xb5: {  	_ =	strace $0x90000048  }
0xb6: {  	_ =	sfence  }
0xb7: {  	s30 =	sld [smem:$0x0];
	_ =	sdelay $0x2  }
0xb8: {  	s31 =	sshll.u32 s1, $0xD;
	s1 =	sshrl.u32 s1, $0x2  }
0xb9: {  	s3 =	sand.u32 $0x4000, s31;
	s1 =	sadd.s32 s1, s30  }
0xba: {  	s0 =	sor.u32 s3, s0;
	s1 =	sshll.u32 s1, $0x11  }
0xbb: {  	s0 =	sor.u32 s1, s0  }
0xbc: {  	s0 =	sadd.s32 $0x8F2B, s0  }
0xbd: {  	[sflag:s0] =	ssyncadd.remote.s32 $0x1  }
0xbe: {  	_ =	sfence.sel $0xFFFF  }
0xbf: {  	[dreg:$0x0] =	wrdreg $0xFFFFFFFF;
	(pc) =	sbr.abs _section_cstart, $3  }
0xc0: {  	[dreg:$0x1] =	wrdreg $0xFFFFFFFF  }
0xc1: {  	_ =	task.clear_ibuf [dreg:s7], $0x2FFFF;
	_ =	strace $0x9FFFFFFF  }
0xc2: {  	(tm) =	ssettm $0x7FFFFFFF  }
0xc3: {  	_ =	shalt  }
tec
execute0_lowered:
.L_overlay_start_1:
0x0: {  	(tag) =	ssettag $0x1  }
0x1: {  	s6 =	rddreg [dreg:$0x0]  }
0x2: {  	s8 =	rddreg [dreg:$0x1];
	s2 =	srdreg.scid  }
0x3: {  	s0 =	rddreg [dreg:$0x2];
	s1 =	stileid.u32;
	s12 =	simm.s32 $0x100  }
0x4: {  	s13 =	simm.s32 $0x900;
	s14 =	simm.s32 $0x1100;
	s15 =	simm.s32 $0x1900  }
0x5: {  	s16 =	simm.s32 $0x2100;
	s17 =	simm.s32 $0x2900;
	s18 =	simm.s32 $0x3100  }
0x6: {  	s19 =	simm.s32 $0x3900;
	s20 =	simm.s32 $0x4100;
	s21 =	simm.s32 $0x4900  }
0x7: {  	s22 =	simm.s32 $0x5100;
	s23 =	simm.s32 $0x5900;
	s24 =	simm.s32 $0x1  }
0x8: {  	s3 =	sand.u32 $0x1, s2;
	s2 =	simm.s32 $0x0;
	s4 =	sshll.u32 s1, $0x3  }
0x9: {  	s5 =	sshll.u32 s3, $0x2;
	[smem:$0x7FF] =	sst s2;
	s31 =	ssub.s32 $0x2, s3  }
0xa: {  	s3 =	sadd.s32 $0xDC00, s8;
	s4 =	sor.u32 s5, s4;
	_ =	strace $0x80000047  }
0xb: {  	s7 =	sshrl.u32 s31, $0x1;
	s9 =	smul.u32 $0x300, s4;
	s10 =	sadd.s32 s4, s8  }
0xc: {  	v2 =	vlaneseq.u32;
	s11 =	ssub.s32 s31, s7;
	s7 =	sadd.s32 $0xDD00, s8;
	s8 =	sadd.s32 $0xDE00, s8  }
0xd: {  	vm0 =	vmmov $0xffff;
	v1 =	vshrl.u32 v2, $0x3;
	s4 =	sadd.s32 $0xD800, s10;
	s5 =	sadd.s32 $0xDA00, s10;
	s10 =	simm.s32 $0x2  }
0xe: {  	v0 =	vand.u32 $0x7, v2;
	v2 =	vor.u32 $0x8, v2;
	v1 =	vmul.u32 $0x8, v1;
	s6 =	sadd.s32 s6, s9;
	s9 =	smax.u32 s11, $0x1;
	s11 =	simm.s32 $0x80  }
.LBB2_1:
0xf: {  	[tilespmem:s2], [sflag:$0x2] =	stream.linear.gather [hbm4b:s4+s2], $0x20, $0x38;
	[tilespmem:$0x6100] =	vst v63  }
0x10: {  	_ =	swait.ge [sflag:s10], $0x20  }
0x11: {  	[sflag:s10] =	ssyncset.done $0x0  }
0x12: {  	[sflag:s10] =	ssyncadd.s32 $0xFFFFFFE0  }
0x13: {  	[tilespmem:s11], [sflag:$0x2] =	stream.linear.gather [hbm4b:s5+s2], $0x20, $0x38;
	[tilespmem:$0x6100] =	vst v63  }
0x14: {  	_ =	swait.ge [sflag:s10], $0x20  }
0x15: {  	[sflag:s10] =	ssyncset.done $0x0  }
0x16: {  	[sflag:s10] =	ssyncadd.s32 $0xFFFFFFE0  }
0x17: {  	[tilespmem:s12], [sflag:$0x2] =	stream.linear.gather [hbm4b:s6+s2], $0x6000, $0x38;
	[tilespmem:$0x6100] =	vst v63  }
0x18: {  	_ =	swait.ge [sflag:s10], $0x6000  }
0x19: {  	[sflag:s10] =	ssyncset.done $0x0  }
0x1a: {  	[sflag:s10] =	ssyncadd.s32 $0xFFFFA000  }
0x1b: {  	v3 =	vld [tilespmem:$0x0];
	_ =	sdelay $0x4  }
0x1c: {  	v4 =	vshrl.u32 v3, $0x3  }
0x1d: {  	v4 =	vmul.u32 $0x30, v4  }
0x1e: {  	v3 =	vand.u32 $0x7, v3  }
0x1f: {  	v3 =	vor.u32 v3, v4  }
0x20: {  	v4 =	vperm.xlane v3, v0;
	_ =	sdelay $0x1  }
0x21: {  	v4 =	vadd.s32 v1, v4;
	_ =	sdelay $0x3  }
0x22: {  	v3 =	vperm.xlane v3, v2  }
0x23: {  	[hbm4b:s3+s2] =	stream.indirect_vreg.scatter [tilespmem:s12], [sflag:$0x1], $0x80, v4, vm0, $0xb8;
	[tilespmem:$0x6100] =	vst v63  }
0x24: {  	v3 =	vadd.s32 v1, v3  }
0x25: {  	[hbm4b:s7+s2] =	stream.indirect_vreg.scatter [tilespmem:s13], [sflag:$0x1], $0x80, v4, vm0, $0xb8;
	[tilespmem:$0x6100] =	vst v63  }
0x26: {  	_ = 	snop  }
0x27: {  	[hbm4b:s8+s2] =	stream.indirect_vreg.scatter [tilespmem:s14], [sflag:$0x1], $0x80, v4, vm0, $0xb8;
	[tilespmem:$0x6100] =	vst v63  }
0x28: {  	_ = 	snop  }
0x29: {  	[hbm4b:s3+s2] =	stream.indirect_vreg.scatter [tilespmem:s15], [sflag:$0x1], $0x80, v3, vm0, $0xb8;
	[tilespmem:$0x6100] =	vst v63  }
0x2a: {  	_ = 	snop  }
0x2b: {  	[hbm4b:s7+s2] =	stream.indirect_vreg.scatter [tilespmem:s16], [sflag:$0x1], $0x80, v3, vm0, $0xb8;
	[tilespmem:$0x6100] =	vst v63  }
0x2c: {  	_ = 	snop  }
0x2d: {  	[hbm4b:s8+s2] =	stream.indirect_vreg.scatter [tilespmem:s17], [sflag:$0x1], $0x80, v3, vm0, $0xb8;
	[tilespmem:$0x6100] =	vst v63  }
0x2e: {  	v3 =	vld [tilespmem:$0x10];
	_ =	sdelay $0x4  }
0x2f: {  	v61 =	vshrl.u32 v3, $0x3  }
0x30: {  	v4 =	vmul.u32 $0x30, v61  }
0x31: {  	v3 =	vand.u32 $0x7, v3  }
0x32: {  	v3 =	vor.u32 v3, v4  }
0x33: {  	v4 =	vperm.xlane v3, v0;
	_ =	sdelay $0x1  }
0x34: {  	v4 =	vadd.s32 v1, v4;
	_ =	sdelay $0x3  }
0x35: {  	v3 =	vperm.xlane v3, v2  }
0x36: {  	[hbm4b:s3+s2] =	stream.indirect_vreg.scatter [tilespmem:s18], [sflag:$0x1], $0x80, v4, vm0, $0xb8;
	[tilespmem:$0x6100] =	vst v63  }
0x37: {  	v3 =	vadd.s32 v1, v3  }
0x38: {  	[hbm4b:s7+s2] =	stream.indirect_vreg.scatter [tilespmem:s19], [sflag:$0x1], $0x80, v4, vm0, $0xb8;
	[tilespmem:$0x6100] =	vst v63  }
0x39: {  	_ = 	snop  }
0x3a: {  	[hbm4b:s8+s2] =	stream.indirect_vreg.scatter [tilespmem:s20], [sflag:$0x1], $0x80, v4, vm0, $0xb8;
	[tilespmem:$0x6100] =	vst v63  }
0x3b: {  	_ = 	snop  }
0x3c: {  	[hbm4b:s3+s2] =	stream.indirect_vreg.scatter [tilespmem:s21], [sflag:$0x1], $0x80, v3, vm0, $0xb8;
	[tilespmem:$0x6100] =	vst v63  }
0x3d: {  	_ = 	snop  }
0x3e: {  	[hbm4b:s7+s2] =	stream.indirect_vreg.scatter [tilespmem:s22], [sflag:$0x1], $0x80, v3, vm0, $0xb8;
	[tilespmem:$0x6100] =	vst v63  }
0x3f: {  	_ = 	snop  }
0x40: {  	[hbm4b:s8+s2] =	stream.indirect_vreg.scatter [tilespmem:s23], [sflag:$0x1], $0x80, v3, vm0, $0xb8;
	[tilespmem:$0x6100] =	vst v63  }
0x41: {  	_ =	swait.ge [sflag:s24], $0x6000  }
0x42: {  	[sflag:s24] =	ssyncset.done $0x0  }
0x43: {  	[sflag:s24] =	ssyncadd.s32 $0xFFFFA000  }
0x44: {  	v3 =	vld [tilespmem:$0x80];
	_ =	sdelay $0x4  }
0x45: {  	v62 =	vshrl.u32 v3, $0x3  }
0x46: {  	v4 =	vmul.u32 $0x30, v62  }
0x47: {  	v3 =	vand.u32 $0x7, v3  }
0x48: {  	v3 =	vor.u32 v3, v4  }
0x49: {  	v4 =	vperm.xlane v3, v0;
	_ =	sdelay $0x1  }
0x4a: {  	v4 =	vadd.s32 v1, v4;
	_ =	sdelay $0x3  }
0x4b: {  	v3 =	vperm.xlane v3, v2  }
0x4c: {  	[hbm4b:s3+s2] =	stream.indirect_vreg.scatter [tilespmem:s12], [sflag:$0x1], $0x80, v4, vm0, $0xb8;
	[tilespmem:$0x6100] =	vst v63  }
0x4d: {  	v3 =	vadd.s32 v1, v3  }
0x4e: {  	[hbm4b:s7+s2] =	stream.indirect_vreg.scatter [tilespmem:s13], [sflag:$0x1], $0x80, v4, vm0, $0xb8;
	[tilespmem:$0x6100] =	vst v63  }
0x4f: {  	_ = 	snop  }
0x50: {  	[hbm4b:s8+s2] =	stream.indirect_vreg.scatter [tilespmem:s14], [sflag:$0x1], $0x80, v4, vm0, $0xb8;
	[tilespmem:$0x6100] =	vst v63  }
0x51: {  	_ = 	snop  }
0x52: {  	[hbm4b:s3+s2] =	stream.indirect_vreg.scatter [tilespmem:s15], [sflag:$0x1], $0x80, v3, vm0, $0xb8;
	[tilespmem:$0x6100] =	vst v63  }
0x53: {  	_ = 	snop  }
0x54: {  	[hbm4b:s7+s2] =	stream.indirect_vreg.scatter [tilespmem:s16], [sflag:$0x1], $0x80, v3, vm0, $0xb8;
	[tilespmem:$0x6100] =	vst v63  }
0x55: {  	_ = 	snop  }
0x56: {  	[hbm4b:s8+s2] =	stream.indirect_vreg.scatter [tilespmem:s17], [sflag:$0x1], $0x80, v3, vm0, $0xb8;
	[tilespmem:$0x6100] =	vst v63  }
0x57: {  	v3 =	vld [tilespmem:$0x90];
	_ =	sdelay $0x4  }
0x58: {  	v63 =	vshrl.u32 v3, $0x3  }
0x59: {  	v4 =	vmul.u32 $0x30, v63  }
0x5a: {  	v3 =	vand.u32 $0x7, v3  }
0x5b: {  	v3 =	vor.u32 v3, v4  }
0x5c: {  	v4 =	vperm.xlane v3, v0;
	_ =	sdelay $0x1  }
0x5d: {  	v4 =	vadd.s32 v1, v4;
	_ =	sdelay $0x3  }
0x5e: {  	v3 =	vperm.xlane v3, v2  }
0x5f: {  	[hbm4b:s3+s2] =	stream.indirect_vreg.scatter [tilespmem:s18], [sflag:$0x1], $0x80, v4, vm0, $0xb8;
	[tilespmem:$0x6100] =	vst v63  }
0x60: {  	v3 =	vadd.s32 v1, v3  }
0x61: {  	[hbm4b:s7+s2] =	stream.indirect_vreg.scatter [tilespmem:s19], [sflag:$0x1], $0x80, v4, vm0, $0xb8;
	[tilespmem:$0x6100] =	vst v63  }
0x62: {  	_ = 	snop  }
0x63: {  	[hbm4b:s8+s2] =	stream.indirect_vreg.scatter [tilespmem:s20], [sflag:$0x1], $0x80, v4, vm0, $0xb8;
	[tilespmem:$0x6100] =	vst v63  }
0x64: {  	_ = 	snop  }
0x65: {  	[hbm4b:s3+s2] =	stream.indirect_vreg.scatter [tilespmem:s21], [sflag:$0x1], $0x80, v3, vm0, $0xb8;
	[tilespmem:$0x6100] =	vst v63  }
0x66: {  	p0 =	sne.s32 s9, $0x1  }
0x67: {  	[hbm4b:s7+s2] =	stream.indirect_vreg.scatter [tilespmem:s22], [sflag:$0x1], $0x80, v3, vm0, $0xb8;
	[tilespmem:$0x6100] =	vst v63  }
.Ltmp0:
0x68: {  	_ = 	snop;
	(pc) =	sbr.rel @p0 .LBB2_1-.Ltmp0, $4  }
0x69: {  	[hbm4b:s8+s2] =	stream.indirect_vreg.scatter [tilespmem:s23], [sflag:$0x1], $0x80, v3, vm0, $0xb8;
	[tilespmem:$0x6100] =	vst v63  }
0x6a: {  	_ =	swait.ge [sflag:s24], $0x6000  }
0x6b: {  	[sflag:s24] =	ssyncset.done $0x0  }
0x6c: {  	s9 =	sadd.s32 $0xFFFFFFFF, s9;
	[sflag:s24] =	ssyncadd.s32 $0xFFFFA000  }
0x6d: {  	_ =	sfence.sel $0x180000  }
0x6e: {  	[bflag:$0x0] =	sbarrier.arrive $0xFFFF  }
0x6f: {  	p0 =	sne.s32 s1, $0x0;
	_ =	strace $0x90000047  }
0x70: {  	s0 =	sadd.s32 @!p0 $0x100000, s0;
	[bflag:$0x2] =	sbarrier.arrive $0xFFFF  }
0x71: {  	[sflag:s0] =	ssyncadd.tile.s32 @!p0 $0x1;
	_ =	shalt  }
.Lfunc_end2:
_tile_overlayer_lowered:
.L_overlay_start_2:
0x72: {  	(tag) =	ssettag $0x2  }
0x73: {  	s0 =	rddreg [dreg:$0x0];
	s2 =	stileid.u32  }
0x74: {  	s1 =	rddreg [dreg:$0x1];
	p0 =	sne.s32 s2, $0x0  }
0x75: {  	s3 =	rddreg [dreg:$0x2];
	[bflag:$0x3] =	sbarrier.arrive $0xFFFF;
	s2 =	simm.s32 @!p0 $0x1C02  }
0x76: {  	[timem:s3], [sflag:s2] =	dma.local @!p0 [hbm:s0], s1  }
0x77: {  	s0 =	simm.s32 @!p0 $0x2  }
0x78: {  	_ =	swait.ge @!p0 [sflag:s0], s1  }
0x79: {  	s1 =	ssub.s32 @!p0 $0x0, s1;
	[sflag:s0] =	ssyncset.done @!p0 $0x0  }
0x7a: {  	[sflag:s0] =	ssyncadd.s32 @!p0 s1  }
0x7b: {  	[bflag:$0x3] =	sbarrier.arrive $0xFFFF  }
0x7c: {  	_ =	shalt  }

</sc_bundles>
